<compile_context>
chip_gen: v7x
topology: tpu7x:2x2x1
jax: 0.10.2.dev20260603
libtpu: 0.0.44.dev20260713+nightly
codegen_flags: <defaults>
</compile_context>

<pallas_src>
import functools

import jax
import jax.numpy as jnp
from jax import lax
from jax.experimental import pallas as pl
from jax.experimental.pallas import tpu as pltpu
from jax.experimental.pallas import tpu_sc as plsc

D = 128
NC = 2
NS = 16
NW = NC * NS
L = 16
CHUNK = 96
NBUF = 2
N_PAD = 10240
HSIZE = 10224
ROWS_PER_TILE = N_PAD // NS
ZROWS = 64


def _sc_aggregate(x, packed, n_chunks):
    mesh = plsc.VectorSubcoreMesh(core_axis_name="c", subcore_axis_name="s")

    @functools.partial(
        pl.kernel,
        out_type=(
            jax.ShapeDtypeStruct((N_PAD, D), jnp.float32),
            jax.ShapeDtypeStruct((N_PAD, D), jnp.float32),
            jax.ShapeDtypeStruct((NW, HSIZE), jnp.float32),
        ),
        mesh=mesh,
        scratch_types=[
            pltpu.VMEM((n_chunks * CHUNK,), jnp.int32),
            pltpu.VMEM((NBUF, CHUNK), jnp.int32),
            pltpu.VMEM((NBUF, CHUNK), jnp.int32),
            pltpu.VMEM((NBUF, CHUNK, D), jnp.float32),
            pltpu.VMEM((HSIZE,), jnp.float32),
            pltpu.VMEM_SHARED((N_PAD, D), jnp.float32),
            pltpu.SemaphoreType.DMA((NBUF,)),
        ],
        compiler_params=pltpu.CompilerParams(needs_layout_passes=False),
    )
    def agg(x_hbm, packed_hbm, psum_a, psum_b, hist_hbm,
            slab_v, src_st, dst_st, rows2, hist_v, acc_sh, gsem):
        cid = lax.axis_index("c")
        sid = lax.axis_index("s")
        wid = cid * NS + sid
        rows_v = rows2.at[0]
        ones16 = jnp.ones((L,), jnp.float32)

        def unpack(c, b):
            def u(i, _):
                w = slab_v[pl.ds(c * CHUNK + i * L, L)]
                src_st[b, pl.ds(i * L, L)] = w & jnp.int32(0xFFFF)
                dst_st[b, pl.ds(i * L, L)] = lax.shift_right_logical(w, 16)
                return 0
            lax.fori_loop(0, CHUNK // L, u, 0)

        def zrow(i, _):
            def zcol(j, _):
                rows_v[i, pl.ds(j * L, L)] = jnp.zeros((L,), jnp.float32)
                return 0
            lax.fori_loop(0, D // L, zcol, 0)
            return 0
        lax.fori_loop(0, ZROWS, zrow, 0)

        def zhist(i, _):
            hist_v[pl.ds(i * L, L)] = jnp.zeros((L,), jnp.float32)
            return 0
        lax.fori_loop(0, HSIZE // L, zhist, 0)

        base = sid * ROWS_PER_TILE
        def zacc(t, _):
            pltpu.sync_copy(rows2.at[0, pl.ds(0, ZROWS)],
                            acc_sh.at[pl.ds(base + t * ZROWS, ZROWS)])
            return 0
        lax.fori_loop(0, ROWS_PER_TILE // ZROWS, zacc, 0)

        pltpu.sync_copy(packed_hbm.at[wid], slab_v)

        for b in range(NBUF):
            unpack(b, b)
            pltpu.async_copy(x_hbm.at[src_st.at[b]], rows2.at[b], gsem.at[b])

        plsc.subcore_barrier()

        def pipe_body(t, _):
            j = t * NBUF
            for b in range(NBUF):
                cur = j + b
                def cnt(i, _):
                    idx16 = dst_st[b, pl.ds(i * L, L)]
                    plsc.addupdate_scatter(hist_v, [idx16], ones16)
                    return 0
                lax.fori_loop(0, CHUNK // L, cnt, 0)
                pltpu.make_async_copy(
                    x_hbm.at[src_st.at[b]], rows2.at[b], gsem.at[b]).wait()
                pltpu.sync_copy(rows2.at[b], acc_sh.at[dst_st.at[b]], add=True)
                nxt = cur + NBUF
                @pl.when(nxt < n_chunks)
                def _():
                    unpack(nxt, b)
                    pltpu.async_copy(
                        x_hbm.at[src_st.at[b]], rows2.at[b], gsem.at[b])
            return 0
        lax.fori_loop(0, n_chunks // NBUF, pipe_body, 0)

        pltpu.sync_copy(hist_v, hist_hbm.at[wid])
        plsc.subcore_barrier()

        sl = pl.ds(base, ROWS_PER_TILE)
        @pl.when(cid == 0)
        def _():
            pltpu.sync_copy(acc_sh.at[sl], psum_a.at[sl])
        @pl.when(cid == 1)
        def _():
            pltpu.sync_copy(acc_sh.at[sl], psum_b.at[sl])

    return agg(x, packed)


def _tc_self(x, W_self, b_self, b_neigh):
    n = x.shape[0]
    blk = 1024
    grid = (-(-n // blk),)

    def body(x_ref, ws_ref, bs_ref, bn_ref, o_ref):
        dn = (((1,), (1,)), ((), ()))
        o_ref[:] = (
            lax.dot_general(x_ref[:], ws_ref[:], dn,
                            preferred_element_type=jnp.float32)
            + bs_ref[:] + bn_ref[:]
        )

    return pl.pallas_call(
        body,
        grid=grid,
        in_specs=[
            pl.BlockSpec((blk, D), lambda i: (i, 0)),
            pl.BlockSpec((D, D), lambda i: (0, 0)),
            pl.BlockSpec((1, D), lambda i: (0, 0)),
            pl.BlockSpec((1, D), lambda i: (0, 0)),
        ],
        out_specs=pl.BlockSpec((blk, D), lambda i: (i, 0)),
        out_shape=jax.ShapeDtypeStruct((n, D), jnp.float32),
    )(x, W_self, b_self.reshape(1, D), b_neigh.reshape(1, D))


def _tc_combine(self_part, psum_a, psum_b, pcnt, W_neigh):
    n = self_part.shape[0]
    blk = 1024
    grid = (-(-n // blk),)

    def body(sp_ref, pa_ref, pb_ref, pc_ref, wn_ref, o_ref):
        s = pa_ref[:] + pb_ref[:]
        cnt = jnp.sum(pc_ref[:], axis=0)[:, None]
        mean = s / jnp.maximum(cnt, 1.0)
        dn = (((1,), (1,)), ((), ()))
        o_ref[:] = sp_ref[:] + lax.dot_general(
            mean, wn_ref[:], dn, preferred_element_type=jnp.float32)

    return pl.pallas_call(
        body,
        grid=grid,
        in_specs=[
            pl.BlockSpec((blk, D), lambda i: (i, 0)),
            pl.BlockSpec((blk, D), lambda i: (i, 0)),
            pl.BlockSpec((blk, D), lambda i: (i, 0)),
            pl.BlockSpec((NW, blk), lambda i: (0, i)),
            pl.BlockSpec((D, D), lambda i: (0, 0)),
        ],
        out_specs=pl.BlockSpec((blk, D), lambda i: (i, 0)),
        out_shape=jax.ShapeDtypeStruct((n, D), jnp.float32),
    )(self_part, psum_a, psum_b, pcnt, W_neigh)


def kernel(x, edge_index, W_self, b_self, W_neigh, b_neigh):
    n = x.shape[0]
    src = edge_index[0].astype(jnp.int32)
    dst = edge_index[1].astype(jnp.int32)
    e = src.shape[0]
    n_chunks = -(-e // (NW * CHUNK))
    n_chunks = max(-(-n_chunks // NBUF) * NBUF, NBUF)
    pad = NW * CHUNK * n_chunks - e
    pad_idx = jnp.arange(pad, dtype=jnp.int32)
    pad_src = jnp.minimum(pad_idx & 8191, n - 1)
    pad_dst = n + jnp.minimum(pad_idx & 127, HSIZE - n - 1)
    src_p = jnp.concatenate([src, pad_src])
    dst_p = jnp.concatenate([dst, pad_dst])
    packed = (src_p | (dst_p << 16)).reshape(NW, n_chunks * CHUNK)

    psum_a, psum_b, pcnt = _sc_aggregate(x, packed, n_chunks)

    self_part = _tc_self(x, W_self, b_self, b_neigh)
    return _tc_combine(self_part, psum_a, psum_b, pcnt, W_neigh)

# --- scband reference (transcript-rebuilt; emitter-appended) ---
"""Pipeline reference for scband-sageconv-40123584479253 (READ-ONLY COPY).

The authoritative reference and input builder live on the scoring server;
editing this copy changes nothing except your own understanding.
"""

import jax, jax.numpy as jnp
import numpy as np

N_NODES = 10000
N_EDGES = 320000
D_IN = 128
D_OUT = 128


def setup_inputs(seed: int = 0) -> dict:
    key = jax.random.key(seed)
    k_x, k_ei, k_ws, k_bs, k_wn, k_bn = jax.random.split(key, 6)
    x = jax.random.normal(k_x, (N_NODES, D_IN), dtype=jnp.float32)
    edge_index = jax.random.randint(k_ei, (2, N_EDGES), 0, N_NODES, dtype=jnp.int64)
    bound = 1.0 / np.sqrt(D_IN)
    W_self = jax.random.uniform(k_ws, (D_OUT, D_IN), dtype=jnp.float32, minval=-bound, maxval=bound)
    b_self = jax.random.uniform(k_bs, (D_OUT,), dtype=jnp.float32, minval=-bound, maxval=bound)
    W_neigh = jax.random.uniform(k_wn, (D_OUT, D_IN), dtype=jnp.float32, minval=-bound, maxval=bound)
    b_neigh = jax.random.uniform(k_bn, (D_OUT,), dtype=jnp.float32, minval=-bound, maxval=bound)
    return {"x": x, "edge_index": edge_index, "W_self": W_self, "b_self": b_self, "W_neigh": W_neigh, "b_neigh": b_neigh}


def reference(x, edge_index, W_self, b_self, W_neigh, b_neigh):
    src = edge_index[0]
    dst = edge_index[1]
    num_nodes = x.shape[0]
    # gather source-node features along edges, scatter-add into destination nodes
    gathered = jnp.take(x, src, axis=0)
    neigh_sum = jax.ops.segment_sum(gathered, dst, num_segments=num_nodes)
    ones = jnp.ones((src.shape[0], 1), dtype=x.dtype)
    neigh_count = jax.ops.segment_sum(ones, dst, num_segments=num_nodes)
    neigh_mean = neigh_sum / jnp.maximum(neigh_count, 1.0)
    out = (x @ W_self.T + b_self) + (neigh_mean @ W_neigh.T + b_neigh)
    return out

if __name__ == "__main__":
    import jax
    _d = setup_inputs()
    print(jax.jit(kernel)(*tuple(_d.values())))

</pallas_src>

<mosaic_0001>
#map = affine_map<(d0, d1) -> (0, 0)>
module attributes {stable_mosaic.version = 14 : i64} {
  func.func @agg(%arg0: i32, %arg1: i32, %arg2: memref<10000x128xf32, #tpu.memory_space<hbm>>, %arg3: memref<32x10176xi32, #tpu.memory_space<hbm>>, %arg4: memref<10240x128xf32, #tpu.memory_space<hbm>>, %arg5: memref<10240x128xf32, #tpu.memory_space<hbm>>, %arg6: memref<32x10224xf32, #tpu.memory_space<hbm>>, %arg7: memref<10176xi32, #tpu.memory_space<vmem>>, %arg8: memref<2x96xi32, #tpu.memory_space<vmem>>, %arg9: memref<2x96xi32, #tpu.memory_space<vmem>>, %arg10: memref<2x96x128xf32, #tpu.memory_space<vmem>>, %arg11: memref<10224xf32, #tpu.memory_space<vmem>>, %arg12: memref<10240x128xf32, #tpu.memory_space<vmem_shared>>, %arg13: memref<2x!tpu.dma_semaphore, #tpu.memory_space<semaphore_mem>>) attributes {dimension_semantics = [#tpu.dimension_semantics<core_parallel>, #tpu.dimension_semantics<subcore_parallel>], iteration_bounds = array<i64: 2, 16>, scalar_prefetch = 0 : i64, scratch_operands = 7 : i64, tpu.core_type = #tpu.core_type<sc_vector_subcore>, window_params = [{transform_indices = #map}, {transform_indices = #map}, {transform_indices = #map}, {transform_indices = #map}, {transform_indices = #map}]} {
    %mul3A = arith.constant 16 : i32
    %mul3A_0 = arith.muli %arg0, %mul3A : i32
    %add3A = arith.addi %mul3A_0, %arg1 : i32
    %broadcast_in_dim3A = arith.constant 1.000000e+00 : f32
    %broadcast_in_dim3A_1 = vector.broadcast %broadcast_in_dim3A : f32 to vector<16xf32>
    %scan3A = arith.constant 0 : i32
    %scan3A_2 = arith.constant 0 : i32
    %scan3A_3 = arith.constant 0 : i32
    %scan3A_4 = arith.constant 64 : i32
    %scan3A_5 = arith.addi %scan3A_3, %scan3A_4 : i32
    %scan3A_6 = arith.constant 1 : i32
    %scan3A_7 = scf.for %scan3A_83 = %scan3A_3 to %scan3A_5 step %scan3A_6 iter_args(%scan3A_84 = %scan3A_2) -> (i32)  : i32 {
      %scan3A_85 = arith.constant 0 : i32
      %scan3A_86 = arith.constant 0 : i32
      %scan3A_87 = arith.constant 8 : i32
      %scan3A_88 = arith.addi %scan3A_86, %scan3A_87 : i32
      %scan3A_89 = arith.constant 1 : i32
      %scan3A_90 = scf.for %scan3A_93 = %scan3A_86 to %scan3A_88 step %scan3A_89 iter_args(%scan3A_94 = %scan3A_85) -> (i32)  : i32 {
        %broadcast_in_dim3A_95 = arith.constant 0.000000e+00 : f32
        %broadcast_in_dim3A_96 = vector.broadcast %broadcast_in_dim3A_95 : f32 to vector<16xf32>
        %mul3A_97 = arith.constant 16 : i32
        %mul3A_98 = arith.muli %scan3A_93, %mul3A_97 : i32
        %swap3A = arith.constant 0 : i32
        %swap3A_99 = arith.constant 0 : i32
        %swap3A_100 = tpu.memref_slice %arg10[%scan3A, %swap3A, %swap3A_99] : memref<2x96x128xf32, #tpu.memory_space<vmem>> -> memref<1x96x128xf32, #tpu.memory_space<vmem>>
        %swap3A_101 = tpu.memref_squeeze %swap3A_100 : memref<1x96x128xf32, #tpu.memory_space<vmem>> -> memref<96x128xf32, #tpu.memory_space<vmem>>
        %swap3A_102 = arith.index_cast %scan3A_83 : i32 to index
        %swap3A_103 = arith.index_cast %mul3A_98 : i32 to index
        %swap3A_104 = tpu.vector_load %swap3A_101[%swap3A_102, %swap3A_103] {strides = array<i32>} : memref<96x128xf32, #tpu.memory_space<vmem>>, vector<16xf32>,
        tpu.vector_store %swap3A_101[%swap3A_102, %swap3A_103], %broadcast_in_dim3A_96 {strides = array<i32>} : memref<96x128xf32, #tpu.memory_space<vmem>>, vector<16xf32>,
        %scan3A_105 = arith.constant 0 : i32
        scf.yield %scan3A_105 : i32
      }
      %scan3A_91 = arith.constant 8 : i32
      %scan3A_92 = arith.constant 0 : i32
      scf.yield %scan3A_92 : i32
    }
    %scan3A_8 = arith.constant 64 : i32
    %scan3A_9 = arith.constant 0 : i32
    %scan3A_10 = arith.constant 0 : i32
    %scan3A_11 = arith.constant 639 : i32
    %scan3A_12 = arith.addi %scan3A_10, %scan3A_11 : i32
    %scan3A_13 = arith.constant 1 : i32
    %scan3A_14 = scf.for %scan3A_83 = %scan3A_10 to %scan3A_12 step %scan3A_13 iter_args(%scan3A_84 = %scan3A_9) -> (i32)  : i32 {
      %broadcast_in_dim3A_85 = arith.constant 0.000000e+00 : f32
      %broadcast_in_dim3A_86 = vector.broadcast %broadcast_in_dim3A_85 : f32 to vector<16xf32>
      %mul3A_87 = arith.constant 16 : i32
      %mul3A_88 = arith.muli %scan3A_83, %mul3A_87 : i32
      %swap3A = arith.index_cast %mul3A_88 : i32 to index
      %swap3A_89 = tpu.vector_load %arg11[%swap3A] {strides = array<i32>} : memref<10224xf32, #tpu.memory_space<vmem>>, vector<16xf32>,
      tpu.vector_store %arg11[%swap3A], %broadcast_in_dim3A_86 {strides = array<i32>} : memref<10224xf32, #tpu.memory_space<vmem>>, vector<16xf32>,
      %scan3A_90 = arith.constant 0 : i32
      scf.yield %scan3A_90 : i32
    }
    %scan3A_15 = arith.constant 639 : i32
    %mul3A_16 = arith.constant 640 : i32
    %mul3A_17 = arith.muli %arg1, %mul3A_16 : i32
    %scan3A_18 = arith.constant 0 : i32
    %scan3A_19 = arith.constant 0 : i32
    %scan3A_20 = arith.constant 10 : i32
    %scan3A_21 = arith.addi %scan3A_19, %scan3A_20 : i32
    %scan3A_22 = arith.constant 1 : i32
    %scan3A_23 = scf.for %scan3A_83 = %scan3A_19 to %scan3A_21 step %scan3A_22 iter_args(%scan3A_84 = %scan3A_18) -> (i32)  : i32 {
      %mul3A_85 = arith.constant 64 : i32
      %mul3A_86 = arith.muli %scan3A_83, %mul3A_85 : i32
      %add3A_87 = arith.addi %mul3A_17, %mul3A_86 : i32
      %run_scoped3A = arith.constant 0 : i32
      "tpu.region"() ({
        %run_scoped3A_89 = tpu.sem_alloc : memref<!tpu.dma_semaphore, #tpu.memory_space<semaphore_mem>>
        %dma_start3A_90 = arith.constant 0 : i32
        %dma_start3A_91 = arith.constant 0 : i32
        %dma_start3A_92 = tpu.memref_slice %arg10[%run_scoped3A, %dma_start3A_90, %dma_start3A_91] : memref<2x96x128xf32, #tpu.memory_space<vmem>> -> memref<1x64x128xf32, #tpu.memory_space<vmem>>
        %dma_start3A_93 = tpu.memref_squeeze %dma_start3A_92 : memref<1x64x128xf32, #tpu.memory_space<vmem>> -> memref<64x128xf32, #tpu.memory_space<vmem>>
        %dma_start3A_94 = arith.constant 0 : i32
        %dma_start3A_95 = tpu.memref_slice %arg12[%add3A_87, %dma_start3A_94] : memref<10240x128xf32, #tpu.memory_space<vmem_shared>> -> memref<64x128xf32, #tpu.memory_space<vmem_shared>>
        %dma_start3A_96 = arith.constant 0 : i32
        %dma_start3A_97 = tpu.memref_slice %arg12[%add3A_87, %dma_start3A_96] : memref<10240x128xf32, #tpu.memory_space<vmem_shared>> -> memref<64x128xf32, #tpu.memory_space<vmem_shared>>
        %dma_start3A_98 = arith.constant 0 : i32
        %dma_start3A_99 = arith.constant 0 : i32
        %dma_start3A_100 = tpu.memref_slice %arg10[%run_scoped3A, %dma_start3A_98, %dma_start3A_99] : memref<2x96x128xf32, #tpu.memory_space<vmem>> -> memref<1x64x128xf32, #tpu.memory_space<vmem>>
        %dma_start3A_101 = tpu.memref_squeeze %dma_start3A_100 : memref<1x64x128xf32, #tpu.memory_space<vmem>> -> memref<64x128xf32, #tpu.memory_space<vmem>>
        tpu.enqueue_dma source(%dma_start3A_101 : memref<64x128xf32, #tpu.memory_space<vmem>>) target(%dma_start3A_97 : memref<64x128xf32, #tpu.memory_space<vmem_shared>>) target_semaphore(%run_scoped3A_89 : memref<!tpu.dma_semaphore, #tpu.memory_space<semaphore_mem>>)
        %dma_wait3A = arith.constant 0 : i32
        %dma_wait3A_102 = arith.constant 0 : i32
        %dma_wait3A_103 = tpu.memref_slice %arg10[%run_scoped3A, %dma_wait3A, %dma_wait3A_102] : memref<2x96x128xf32, #tpu.memory_space<vmem>> -> memref<1x64x128xf32, #tpu.memory_space<vmem>>
        %dma_wait3A_104 = tpu.memref_squeeze %dma_wait3A_103 : memref<1x64x128xf32, #tpu.memory_space<vmem>> -> memref<64x128xf32, #tpu.memory_space<vmem>>
        %dma_wait3A_105 = arith.constant 0 : i32
        %dma_wait3A_106 = tpu.memref_slice %arg12[%add3A_87, %dma_wait3A_105] : memref<10240x128xf32, #tpu.memory_space<vmem_shared>> -> memref<64x128xf32, #tpu.memory_space<vmem_shared>>
        %dma_wait3A_107 = arith.constant 0 : i32
        %dma_wait3A_108 = tpu.memref_slice %arg12[%add3A_87, %dma_wait3A_107] : memref<10240x128xf32, #tpu.memory_space<vmem_shared>> -> memref<64x128xf32, #tpu.memory_space<vmem_shared>>
        %dma_wait3A_109 = arith.constant 0 : i32
        %dma_wait3A_110 = arith.constant 0 : i32
        %dma_wait3A_111 = tpu.memref_slice %arg10[%run_scoped3A, %dma_wait3A_109, %dma_wait3A_110] : memref<2x96x128xf32, #tpu.memory_space<vmem>> -> memref<1x64x128xf32, #tpu.memory_space<vmem>>
        %dma_wait3A_112 = tpu.memref_squeeze %dma_wait3A_111 : memref<1x64x128xf32, #tpu.memory_space<vmem>> -> memref<64x128xf32, #tpu.memory_space<vmem>>
        tpu.wait_dma2 semaphore(%run_scoped3A_89 : memref<!tpu.dma_semaphore, #tpu.memory_space<semaphore_mem>>) src(%dma_wait3A_112 : memref<64x128xf32, #tpu.memory_space<vmem>>) dst(%dma_wait3A_108 : memref<64x128xf32, #tpu.memory_space<vmem_shared>>)
        tpu.yield
      }) : () -> ()
      %scan3A_88 = arith.constant 0 : i32
      scf.yield %scan3A_88 : i32
    }
    %scan3A_24 = arith.constant 10 : i32
    "tpu.region"() ({
      %run_scoped3A = tpu.sem_alloc : memref<!tpu.dma_semaphore, #tpu.memory_space<semaphore_mem>>
      %dma_start3A_83 = arith.constant 0 : i32
      %dma_start3A_84 = tpu.memref_slice %arg3[%add3A, %dma_start3A_83] : memref<32x10176xi32, #tpu.memory_space<hbm>> -> memref<1x10176xi32, #tpu.memory_space<hbm>>
      %dma_start3A_85 = tpu.memref_squeeze %dma_start3A_84 : memref<1x10176xi32, #tpu.memory_space<hbm>> -> memref<10176xi32, #tpu.memory_space<hbm>>
      %dma_start3A_86 = arith.constant 0 : i32
      %dma_start3A_87 = tpu.memref_slice %arg3[%add3A, %dma_start3A_86] : memref<32x10176xi32, #tpu.memory_space<hbm>> -> memref<1x10176xi32, #tpu.memory_space<hbm>>
      %dma_start3A_88 = tpu.memref_squeeze %dma_start3A_87 : memref<1x10176xi32, #tpu.memory_space<hbm>> -> memref<10176xi32, #tpu.memory_space<hbm>>
      tpu.enqueue_dma source(%dma_start3A_88 : memref<10176xi32, #tpu.memory_space<hbm>>) target(%arg7 : memref<10176xi32, #tpu.memory_space<vmem>>) target_semaphore(%run_scoped3A : memref<!tpu.dma_semaphore, #tpu.memory_space<semaphore_mem>>)
      %dma_wait3A = arith.constant 0 : i32
      %dma_wait3A_89 = tpu.memref_slice %arg3[%add3A, %dma_wait3A] : memref<32x10176xi32, #tpu.memory_space<hbm>> -> memref<1x10176xi32, #tpu.memory_space<hbm>>
      %dma_wait3A_90 = tpu.memref_squeeze %dma_wait3A_89 : memref<1x10176xi32, #tpu.memory_space<hbm>> -> memref<10176xi32, #tpu.memory_space<hbm>>
      %dma_wait3A_91 = arith.constant 0 : i32
      %dma_wait3A_92 = tpu.memref_slice %arg3[%add3A, %dma_wait3A_91] : memref<32x10176xi32, #tpu.memory_space<hbm>> -> memref<1x10176xi32, #tpu.memory_space<hbm>>
      %dma_wait3A_93 = tpu.memref_squeeze %dma_wait3A_92 : memref<1x10176xi32, #tpu.memory_space<hbm>> -> memref<10176xi32, #tpu.memory_space<hbm>>
      tpu.wait_dma2 semaphore(%run_scoped3A : memref<!tpu.dma_semaphore, #tpu.memory_space<semaphore_mem>>) src(%dma_wait3A_93 : memref<10176xi32, #tpu.memory_space<hbm>>) dst(%arg7 : memref<10176xi32, #tpu.memory_space<vmem>>)
      tpu.yield
    }) : () -> ()
    %scan3A_25 = arith.constant 0 : i32
    %scan3A_26 = arith.constant 0 : i32
    %scan3A_27 = arith.constant 6 : i32
    %scan3A_28 = arith.addi %scan3A_26, %scan3A_27 : i32
    %scan3A_29 = arith.constant 1 : i32
    %scan3A_30 = scf.for %scan3A_83 = %scan3A_26 to %scan3A_28 step %scan3A_29 iter_args(%scan3A_84 = %scan3A_25) -> (i32)  : i32 {
      %mul3A_85 = arith.constant 16 : i32
      %mul3A_86 = arith.muli %scan3A_83, %mul3A_85 : i32
      %add3A_87 = arith.constant 0 : i32
      %add3A_88 = arith.addi %add3A_87, %mul3A_86 : i32
      %get3A = arith.index_cast %add3A_88 : i32 to index
      %get3A_89 = tpu.vector_load %arg7[%get3A] {strides = array<i32>} : memref<10176xi32, #tpu.memory_space<vmem>>, vector<16xi32>,
      %and3A = arith.constant 65535 : i32
      %and3A_90 = vector.broadcast %and3A : i32 to vector<16xi32>
      %and3A_91 = arith.andi %get3A_89, %and3A_90 : vector<16xi32>
      %mul3A_92 = arith.constant 16 : i32
      %mul3A_93 = arith.muli %scan3A_83, %mul3A_92 : i32
      %swap3A = arith.constant 0 : i32
      %swap3A_94 = arith.index_cast %swap3A : i32 to index
      %swap3A_95 = arith.index_cast %mul3A_93 : i32 to index
      %swap3A_96 = tpu.vector_load %arg8[%swap3A_94, %swap3A_95] {strides = array<i32>} : memref<2x96xi32, #tpu.memory_space<vmem>>, vector<16xi32>,
      tpu.vector_store %arg8[%swap3A_94, %swap3A_95], %and3A_91 {strides = array<i32>} : memref<2x96xi32, #tpu.memory_space<vmem>>, vector<16xi32>,
      %shift_right_logical3A = arith.constant 16 : i32
      %shift_right_logical3A_97 = vector.broadcast %shift_right_logical3A : i32 to vector<16xi32>
      %shift_right_logical3A_98 = arith.shrui %get3A_89, %shift_right_logical3A_97 : vector<16xi32>
      %mul3A_99 = arith.constant 16 : i32
      %mul3A_100 = arith.muli %scan3A_83, %mul3A_99 : i32
      %swap3A_101 = arith.constant 0 : i32
      %swap3A_102 = arith.index_cast %swap3A_101 : i32 to index
      %swap3A_103 = arith.index_cast %mul3A_100 : i32 to index
      %swap3A_104 = tpu.vector_load %arg9[%swap3A_102, %swap3A_103] {strides = array<i32>} : memref<2x96xi32, #tpu.memory_space<vmem>>, vector<16xi32>,
      tpu.vector_store %arg9[%swap3A_102, %swap3A_103], %shift_right_logical3A_98 {strides = array<i32>} : memref<2x96xi32, #tpu.memory_space<vmem>>, vector<16xi32>,
      %scan3A_105 = arith.constant 0 : i32
      scf.yield %scan3A_105 : i32
    }
    %scan3A_31 = arith.constant 6 : i32
    %dma_start3A = arith.constant 0 : i32
    %dma_start3A_32 = arith.constant 0 : i32
    %dma_start3A_33 = arith.constant 0 : i32
    %dma_start3A_34 = arith.constant 0 : i32
    %dma_start3A_35 = arith.constant 0 : i32
    %dma_start3A_36 = tpu.memref_slice %arg10[%dma_start3A_32, %dma_start3A_34, %dma_start3A_35] : memref<2x96x128xf32, #tpu.memory_space<vmem>> -> memref<1x96x128xf32, #tpu.memory_space<vmem>>
    %dma_start3A_37 = tpu.memref_squeeze %dma_start3A_36 : memref<1x96x128xf32, #tpu.memory_space<vmem>> -> memref<96x128xf32, #tpu.memory_space<vmem>>
    %dma_start3A_38 = arith.constant 0 : i32
    %dma_start3A_39 = tpu.memref_slice %arg8[%dma_start3A, %dma_start3A_38] : memref<2x96xi32, #tpu.memory_space<vmem>> -> memref<1x96xi32, #tpu.memory_space<vmem>>
    %dma_start3A_40 = tpu.memref_squeeze %dma_start3A_39 : memref<1x96xi32, #tpu.memory_space<vmem>> -> memref<96xi32, #tpu.memory_space<vmem>>
    %dma_start3A_41 = arith.constant 0 : i32
    %dma_start3A_42 = arith.constant 0 : i32
    %dma_start3A_43 = tpu.memref_slice %arg2[%dma_start3A_41, %dma_start3A_42] : memref<10000x128xf32, #tpu.memory_space<hbm>> -> memref<10000x128xf32, #tpu.memory_space<hbm>>
    %dma_start3A_44 = tpu.memref_slice %arg13[%dma_start3A_33] : memref<2x!tpu.dma_semaphore, #tpu.memory_space<semaphore_mem>> -> memref<1x!tpu.dma_semaphore, #tpu.memory_space<semaphore_mem>>
    %dma_start3A_45 = tpu.memref_squeeze %dma_start3A_44 : memref<1x!tpu.dma_semaphore, #tpu.memory_space<semaphore_mem>> -> memref<!tpu.dma_semaphore, #tpu.memory_space<semaphore_mem>>
    tpu.enqueue_indirect_dma source(%dma_start3A_43 : memref<10000x128xf32, #tpu.memory_space<hbm>>) target(%dma_start3A_37 : memref<96x128xf32, #tpu.memory_space<vmem>>) offsets(%dma_start3A_40 : memref<96xi32, #tpu.memory_space<vmem>>) semaphore(%dma_start3A_45 : memref<!tpu.dma_semaphore, #tpu.memory_space<semaphore_mem>>)
    %scan3A_46 = arith.constant 0 : i32
    %scan3A_47 = arith.constant 0 : i32
    %scan3A_48 = arith.constant 6 : i32
    %scan3A_49 = arith.addi %scan3A_47, %scan3A_48 : i32
    %scan3A_50 = arith.constant 1 : i32
    %scan3A_51 = scf.for %scan3A_83 = %scan3A_47 to %scan3A_49 step %scan3A_50 iter_args(%scan3A_84 = %scan3A_46) -> (i32)  : i32 {
      %mul3A_85 = arith.constant 16 : i32
      %mul3A_86 = arith.muli %scan3A_83, %mul3A_85 : i32
      %add3A_87 = arith.constant 96 : i32
      %add3A_88 = arith.addi %add3A_87, %mul3A_86 : i32
      %get3A = arith.index_cast %add3A_88 : i32 to index
      %get3A_89 = tpu.vector_load %arg7[%get3A] {strides = array<i32>} : memref<10176xi32, #tpu.memory_space<vmem>>, vector<16xi32>,
      %and3A = arith.constant 65535 : i32
      %and3A_90 = vector.broadcast %and3A : i32 to vector<16xi32>
      %and3A_91 = arith.andi %get3A_89, %and3A_90 : vector<16xi32>
      %mul3A_92 = arith.constant 16 : i32
      %mul3A_93 = arith.muli %scan3A_83, %mul3A_92 : i32
      %swap3A = arith.constant 1 : i32
      %swap3A_94 = arith.index_cast %swap3A : i32 to index
      %swap3A_95 = arith.index_cast %mul3A_93 : i32 to index
      %swap3A_96 = tpu.vector_load %arg8[%swap3A_94, %swap3A_95] {strides = array<i32>} : memref<2x96xi32, #tpu.memory_space<vmem>>, vector<16xi32>,
      tpu.vector_store %arg8[%swap3A_94, %swap3A_95], %and3A_91 {strides = array<i32>} : memref<2x96xi32, #tpu.memory_space<vmem>>, vector<16xi32>,
      %shift_right_logical3A = arith.constant 16 : i32
      %shift_right_logical3A_97 = vector.broadcast %shift_right_logical3A : i32 to vector<16xi32>
      %shift_right_logical3A_98 = arith.shrui %get3A_89, %shift_right_logical3A_97 : vector<16xi32>
      %mul3A_99 = arith.constant 16 : i32
      %mul3A_100 = arith.muli %scan3A_83, %mul3A_99 : i32
      %swap3A_101 = arith.constant 1 : i32
      %swap3A_102 = arith.index_cast %swap3A_101 : i32 to index
      %swap3A_103 = arith.index_cast %mul3A_100 : i32 to index
      %swap3A_104 = tpu.vector_load %arg9[%swap3A_102, %swap3A_103] {strides = array<i32>} : memref<2x96xi32, #tpu.memory_space<vmem>>, vector<16xi32>,
      tpu.vector_store %arg9[%swap3A_102, %swap3A_103], %shift_right_logical3A_98 {strides = array<i32>} : memref<2x96xi32, #tpu.memory_space<vmem>>, vector<16xi32>,
      %scan3A_105 = arith.constant 0 : i32
      scf.yield %scan3A_105 : i32
    }
    %scan3A_52 = arith.constant 6 : i32
    %dma_start3A_53 = arith.constant 1 : i32
    %dma_start3A_54 = arith.constant 1 : i32
    %dma_start3A_55 = arith.constant 1 : i32
    %dma_start3A_56 = arith.constant 0 : i32
    %dma_start3A_57 = arith.constant 0 : i32
    %dma_start3A_58 = tpu.memref_slice %arg10[%dma_start3A_54, %dma_start3A_56, %dma_start3A_57] : memref<2x96x128xf32, #tpu.memory_space<vmem>> -> memref<1x96x128xf32, #tpu.memory_space<vmem>>
    %dma_start3A_59 = tpu.memref_squeeze %dma_start3A_58 : memref<1x96x128xf32, #tpu.memory_space<vmem>> -> memref<96x128xf32, #tpu.memory_space<vmem>>
    %dma_start3A_60 = arith.constant 0 : i32
    %dma_start3A_61 = tpu.memref_slice %arg8[%dma_start3A_53, %dma_start3A_60] : memref<2x96xi32, #tpu.memory_space<vmem>> -> memref<1x96xi32, #tpu.memory_space<vmem>>
    %dma_start3A_62 = tpu.memref_squeeze %dma_start3A_61 : memref<1x96xi32, #tpu.memory_space<vmem>> -> memref<96xi32, #tpu.memory_space<vmem>>
    %dma_start3A_63 = arith.constant 0 : i32
    %dma_start3A_64 = arith.constant 0 : i32
    %dma_start3A_65 = tpu.memref_slice %arg2[%dma_start3A_63, %dma_start3A_64] : memref<10000x128xf32, #tpu.memory_space<hbm>> -> memref<10000x128xf32, #tpu.memory_space<hbm>>
    %dma_start3A_66 = tpu.memref_slice %arg13[%dma_start3A_55] : memref<2x!tpu.dma_semaphore, #tpu.memory_space<semaphore_mem>> -> memref<1x!tpu.dma_semaphore, #tpu.memory_space<semaphore_mem>>
    %dma_start3A_67 = tpu.memref_squeeze %dma_start3A_66 : memref<1x!tpu.dma_semaphore, #tpu.memory_space<semaphore_mem>> -> memref<!tpu.dma_semaphore, #tpu.memory_space<semaphore_mem>>
    tpu.enqueue_indirect_dma source(%dma_start3A_65 : memref<10000x128xf32, #tpu.memory_space<hbm>>) target(%dma_start3A_59 : memref<96x128xf32, #tpu.memory_space<vmem>>) offsets(%dma_start3A_62 : memref<96xi32, #tpu.memory_space<vmem>>) semaphore(%dma_start3A_67 : memref<!tpu.dma_semaphore, #tpu.memory_space<semaphore_mem>>)
    %barrier3A = arith.constant 0 : index
    tpu.barrier barrier_id(%barrier3A)
    %scan3A_68 = arith.constant 0 : i32
    %scan3A_69 = arith.constant 0 : i32
    %scan3A_70 = arith.constant 53 : i32
    %scan3A_71 = arith.addi %scan3A_69, %scan3A_70 : i32
    %scan3A_72 = arith.constant 1 : i32
    %scan3A_73 = scf.for %scan3A_83 = %scan3A_69 to %scan3A_71 step %scan3A_72 iter_args(%scan3A_84 = %scan3A_68) -> (i32)  : i32 {
      %mul3A_85 = arith.constant 2 : i32
      %mul3A_86 = arith.muli %scan3A_83, %mul3A_85 : i32
      %add3A_87 = arith.constant 0 : i32
      %add3A_88 = arith.addi %mul3A_86, %add3A_87 : i32
      %scan3A_89 = arith.constant 0 : i32
      %scan3A_90 = arith.constant 0 : i32
      %scan3A_91 = arith.constant 6 : i32
      %scan3A_92 = arith.addi %scan3A_90, %scan3A_91 : i32
      %scan3A_93 = arith.constant 1 : i32
      %scan3A_94 = scf.for %scan3A_151 = %scan3A_90 to %scan3A_92 step %scan3A_93 iter_args(%scan3A_152 = %scan3A_89) -> (i32)  : i32 {
        %mul3A_153 = arith.constant 16 : i32
        %mul3A_154 = arith.muli %scan3A_151, %mul3A_153 : i32
        %get3A = arith.constant 0 : i32
        %get3A_155 = arith.index_cast %get3A : i32 to index
        %get3A_156 = arith.index_cast %mul3A_154 : i32 to index
        %get3A_157 = tpu.vector_load %arg9[%get3A_155, %get3A_156] {strides = array<i32>} : memref<2x96xi32, #tpu.memory_space<vmem>>, vector<16xi32>,
        tpu.vector_store_idx %arg11[%get3A_157], %broadcast_in_dim3A_1 {add = true} : memref<10224xf32, #tpu.memory_space<vmem>>[vector<16xi32>], vector<16xf32>,
        %scan3A_158 = arith.constant 0 : i32
        scf.yield %scan3A_158 : i32
      }
      %scan3A_95 = arith.constant 6 : i32
      %dma_wait3A = arith.constant 0 : i32
      %dma_wait3A_96 = arith.constant 0 : i32
      %dma_wait3A_97 = arith.constant 0 : i32
      %dma_wait3A_98 = arith.constant 0 : i32
      %dma_wait3A_99 = arith.constant 0 : i32
      %dma_wait3A_100 = tpu.memref_slice %arg10[%dma_wait3A_96, %dma_wait3A_98, %dma_wait3A_99] : memref<2x96x128xf32, #tpu.memory_space<vmem>> -> memref<1x96x128xf32, #tpu.memory_space<vmem>>
      %dma_wait3A_101 = tpu.memref_squeeze %dma_wait3A_100 : memref<1x96x128xf32, #tpu.memory_space<vmem>> -> memref<96x128xf32, #tpu.memory_space<vmem>>
      %dma_wait3A_102 = arith.constant 0 : i32
      %dma_wait3A_103 = tpu.memref_slice %arg8[%dma_wait3A, %dma_wait3A_102] : memref<2x96xi32, #tpu.memory_space<vmem>> -> memref<1x96xi32, #tpu.memory_space<vmem>>
      %dma_wait3A_104 = tpu.memref_squeeze %dma_wait3A_103 : memref<1x96xi32, #tpu.memory_space<vmem>> -> memref<96xi32, #tpu.memory_space<vmem>>
      %dma_wait3A_105 = arith.constant 0 : i32
      %dma_wait3A_106 = arith.constant 0 : i32
      %dma_wait3A_107 = tpu.memref_slice %arg2[%dma_wait3A_105, %dma_wait3A_106] : memref<10000x128xf32, #tpu.memory_space<hbm>> -> memref<10000x128xf32, #tpu.memory_space<hbm>>
      %dma_wait3A_108 = tpu.memref_slice %arg13[%dma_wait3A_97] : memref<2x!tpu.dma_semaphore, #tpu.memory_space<semaphore_mem>> -> memref<1x!tpu.dma_semaphore, #tpu.memory_space<semaphore_mem>>
      %dma_wait3A_109 = tpu.memref_squeeze %dma_wait3A_108 : memref<1x!tpu.dma_semaphore, #tpu.memory_space<semaphore_mem>> -> memref<!tpu.dma_semaphore, #tpu.memory_space<semaphore_mem>>
      tpu.wait_indirect_dma semaphore(%dma_wait3A_109 : memref<!tpu.dma_semaphore, #tpu.memory_space<semaphore_mem>>) src(%dma_wait3A_107 : memref<10000x128xf32, #tpu.memory_space<hbm>>) dst(%dma_wait3A_101 : memref<96x128xf32, #tpu.memory_space<vmem>>)
      %run_scoped3A = arith.constant 0 : i32
      %run_scoped3A_110 = arith.constant 0 : i32
      "tpu.region"() ({
        %run_scoped3A_151 = tpu.sem_alloc : memref<!tpu.dma_semaphore, #tpu.memory_space<semaphore_mem>>
        %dma_start3A_152 = arith.constant 0 : i32
        %dma_start3A_153 = arith.constant 0 : i32
        %dma_start3A_154 = tpu.memref_slice %arg10[%run_scoped3A, %dma_start3A_152, %dma_start3A_153] : memref<2x96x128xf32, #tpu.memory_space<vmem>> -> memref<1x96x128xf32, #tpu.memory_space<vmem>>
        %dma_start3A_155 = tpu.memref_squeeze %dma_start3A_154 : memref<1x96x128xf32, #tpu.memory_space<vmem>> -> memref<96x128xf32, #tpu.memory_space<vmem>>
        %dma_start3A_156 = arith.constant 0 : i32
        %dma_start3A_157 = tpu.memref_slice %arg9[%run_scoped3A_110, %dma_start3A_156] : memref<2x96xi32, #tpu.memory_space<vmem>> -> memref<1x96xi32, #tpu.memory_space<vmem>>
        %dma_start3A_158 = tpu.memref_squeeze %dma_start3A_157 : memref<1x96xi32, #tpu.memory_space<vmem>> -> memref<96xi32, #tpu.memory_space<vmem>>
        %dma_start3A_159 = arith.constant 0 : i32
        %dma_start3A_160 = arith.constant 0 : i32
        %dma_start3A_161 = tpu.memref_slice %arg12[%dma_start3A_159, %dma_start3A_160] : memref<10240x128xf32, #tpu.memory_space<vmem_shared>> -> memref<10240x128xf32, #tpu.memory_space<vmem_shared>>
        tpu.enqueue_indirect_dma source(%dma_start3A_155 : memref<96x128xf32, #tpu.memory_space<vmem>>) target(%dma_start3A_161 : memref<10240x128xf32, #tpu.memory_space<vmem_shared>>) offsets(%dma_start3A_158 : memref<96xi32, #tpu.memory_space<vmem>>) semaphore(%run_scoped3A_151 : memref<!tpu.dma_semaphore, #tpu.memory_space<semaphore_mem>>) {add = true}
        %dma_wait3A_162 = arith.constant 0 : i32
        %dma_wait3A_163 = arith.constant 0 : i32
        %dma_wait3A_164 = tpu.memref_slice %arg10[%run_scoped3A, %dma_wait3A_162, %dma_wait3A_163] : memref<2x96x128xf32, #tpu.memory_space<vmem>> -> memref<1x96x128xf32, #tpu.memory_space<vmem>>
        %dma_wait3A_165 = tpu.memref_squeeze %dma_wait3A_164 : memref<1x96x128xf32, #tpu.memory_space<vmem>> -> memref<96x128xf32, #tpu.memory_space<vmem>>
        %dma_wait3A_166 = arith.constant 0 : i32
        %dma_wait3A_167 = tpu.memref_slice %arg9[%run_scoped3A_110, %dma_wait3A_166] : memref<2x96xi32, #tpu.memory_space<vmem>> -> memref<1x96xi32, #tpu.memory_space<vmem>>
        %dma_wait3A_168 = tpu.memref_squeeze %dma_wait3A_167 : memref<1x96xi32, #tpu.memory_space<vmem>> -> memref<96xi32, #tpu.memory_space<vmem>>
        %dma_wait3A_169 = arith.constant 0 : i32
        %dma_wait3A_170 = arith.constant 0 : i32
        %dma_wait3A_171 = tpu.memref_slice %arg12[%dma_wait3A_169, %dma_wait3A_170] : memref<10240x128xf32, #tpu.memory_space<vmem_shared>> -> memref<10240x128xf32, #tpu.memory_space<vmem_shared>>
        tpu.wait_indirect_dma semaphore(%run_scoped3A_151 : memref<!tpu.dma_semaphore, #tpu.memory_space<semaphore_mem>>) src(%dma_wait3A_165 : memref<96x128xf32, #tpu.memory_space<vmem>>) dst(%dma_wait3A_171 : memref<10240x128xf32, #tpu.memory_space<vmem_shared>>)
        tpu.yield
      }) : () -> ()
      %add3A_111 = arith.constant 2 : i32
      %add3A_112 = arith.addi %add3A_88, %add3A_111 : i32
      %lt3A = arith.constant 106 : i32
      %lt3A_113 = arith.cmpi slt, %add3A_112, %lt3A : i32
      %convert_element_type3A_114 = arith.extui %lt3A_113 : i1 to i32
      %cond3A_115 = arith.constant 0 : i32
      %cond3A_116 = arith.cmpi ne, %convert_element_type3A_114, %cond3A_115 : i32
      scf.if %cond3A_116 {
        %scan3A_151 = arith.constant 0 : i32
        %scan3A_152 = arith.constant 0 : i32
        %scan3A_153 = arith.constant 6 : i32
        %scan3A_154 = arith.addi %scan3A_152, %scan3A_153 : i32
        %scan3A_155 = arith.constant 1 : i32
        %scan3A_156 = scf.for %scan3A_173 = %scan3A_152 to %scan3A_154 step %scan3A_155 iter_args(%scan3A_174 = %scan3A_151) -> (i32)  : i32 {
          %mul3A_175 = arith.constant 96 : i32
          %mul3A_176 = arith.muli %add3A_112, %mul3A_175 : i32
          %mul3A_177 = arith.constant 16 : i32
          %mul3A_178 = arith.muli %scan3A_173, %mul3A_177 : i32
          %add3A_179 = arith.addi %mul3A_176, %mul3A_178 : i32
          %get3A = arith.index_cast %add3A_179 : i32 to index
          %get3A_180 = tpu.vector_load %arg7[%get3A] {strides = array<i32>} : memref<10176xi32, #tpu.memory_space<vmem>>, vector<16xi32>,
          %and3A = arith.constant 65535 : i32
          %and3A_181 = vector.broadcast %and3A : i32 to vector<16xi32>
          %and3A_182 = arith.andi %get3A_180, %and3A_181 : vector<16xi32>
          %mul3A_183 = arith.constant 16 : i32
          %mul3A_184 = arith.muli %scan3A_173, %mul3A_183 : i32
          %swap3A = arith.constant 0 : i32
          %swap3A_185 = arith.index_cast %swap3A : i32 to index
          %swap3A_186 = arith.index_cast %mul3A_184 : i32 to index
          %swap3A_187 = tpu.vector_load %arg8[%swap3A_185, %swap3A_186] {strides = array<i32>} : memref<2x96xi32, #tpu.memory_space<vmem>>, vector<16xi32>,
          tpu.vector_store %arg8[%swap3A_185, %swap3A_186], %and3A_182 {strides = array<i32>} : memref<2x96xi32, #tpu.memory_space<vmem>>, vector<16xi32>,
          %shift_right_logical3A = arith.constant 16 : i32
          %shift_right_logical3A_188 = vector.broadcast %shift_right_logical3A : i32 to vector<16xi32>
          %shift_right_logical3A_189 = arith.shrui %get3A_180, %shift_right_logical3A_188 : vector<16xi32>
          %mul3A_190 = arith.constant 16 : i32
          %mul3A_191 = arith.muli %scan3A_173, %mul3A_190 : i32
          %swap3A_192 = arith.constant 0 : i32
          %swap3A_193 = arith.index_cast %swap3A_192 : i32 to index
          %swap3A_194 = arith.index_cast %mul3A_191 : i32 to index
          %swap3A_195 = tpu.vector_load %arg9[%swap3A_193, %swap3A_194] {strides = array<i32>} : memref<2x96xi32, #tpu.memory_space<vmem>>, vector<16xi32>,
          tpu.vector_store %arg9[%swap3A_193, %swap3A_194], %shift_right_logical3A_189 {strides = array<i32>} : memref<2x96xi32, #tpu.memory_space<vmem>>, vector<16xi32>,
          %scan3A_196 = arith.constant 0 : i32
          scf.yield %scan3A_196 : i32
        }
        %scan3A_157 = arith.constant 6 : i32
        %dma_start3A_158 = arith.constant 0 : i32
        %dma_start3A_159 = arith.constant 0 : i32
        %dma_start3A_160 = arith.constant 0 : i32
        %dma_start3A_161 = arith.constant 0 : i32
        %dma_start3A_162 = arith.constant 0 : i32
        %dma_start3A_163 = tpu.memref_slice %arg10[%dma_start3A_159, %dma_start3A_161, %dma_start3A_162] : memref<2x96x128xf32, #tpu.memory_space<vmem>> -> memref<1x96x128xf32, #tpu.memory_space<vmem>>
        %dma_start3A_164 = tpu.memref_squeeze %dma_start3A_163 : memref<1x96x128xf32, #tpu.memory_space<vmem>> -> memref<96x128xf32, #tpu.memory_space<vmem>>
        %dma_start3A_165 = arith.constant 0 : i32
        %dma_start3A_166 = tpu.memref_slice %arg8[%dma_start3A_158, %dma_start3A_165] : memref<2x96xi32, #tpu.memory_space<vmem>> -> memref<1x96xi32, #tpu.memory_space<vmem>>
        %dma_start3A_167 = tpu.memref_squeeze %dma_start3A_166 : memref<1x96xi32, #tpu.memory_space<vmem>> -> memref<96xi32, #tpu.memory_space<vmem>>
        %dma_start3A_168 = arith.constant 0 : i32
        %dma_start3A_169 = arith.constant 0 : i32
        %dma_start3A_170 = tpu.memref_slice %arg2[%dma_start3A_168, %dma_start3A_169] : memref<10000x128xf32, #tpu.memory_space<hbm>> -> memref<10000x128xf32, #tpu.memory_space<hbm>>
        %dma_start3A_171 = tpu.memref_slice %arg13[%dma_start3A_160] : memref<2x!tpu.dma_semaphore, #tpu.memory_space<semaphore_mem>> -> memref<1x!tpu.dma_semaphore, #tpu.memory_space<semaphore_mem>>
        %dma_start3A_172 = tpu.memref_squeeze %dma_start3A_171 : memref<1x!tpu.dma_semaphore, #tpu.memory_space<semaphore_mem>> -> memref<!tpu.dma_semaphore, #tpu.memory_space<semaphore_mem>>
        tpu.enqueue_indirect_dma source(%dma_start3A_170 : memref<10000x128xf32, #tpu.memory_space<hbm>>) target(%dma_start3A_164 : memref<96x128xf32, #tpu.memory_space<vmem>>) offsets(%dma_start3A_167 : memref<96xi32, #tpu.memory_space<vmem>>) semaphore(%dma_start3A_172 : memref<!tpu.dma_semaphore, #tpu.memory_space<semaphore_mem>>)
      } else {
      }
      %add3A_117 = arith.constant 1 : i32
      %add3A_118 = arith.addi %mul3A_86, %add3A_117 : i32
      %scan3A_119 = arith.constant 0 : i32
      %scan3A_120 = arith.constant 0 : i32
      %scan3A_121 = arith.constant 6 : i32
      %scan3A_122 = arith.addi %scan3A_120, %scan3A_121 : i32
      %scan3A_123 = arith.constant 1 : i32
      %scan3A_124 = scf.for %scan3A_151 = %scan3A_120 to %scan3A_122 step %scan3A_123 iter_args(%scan3A_152 = %scan3A_119) -> (i32)  : i32 {
        %mul3A_153 = arith.constant 16 : i32
        %mul3A_154 = arith.muli %scan3A_151, %mul3A_153 : i32
        %get3A = arith.constant 1 : i32
        %get3A_155 = arith.index_cast %get3A : i32 to index
        %get3A_156 = arith.index_cast %mul3A_154 : i32 to index
        %get3A_157 = tpu.vector_load %arg9[%get3A_155, %get3A_156] {strides = array<i32>} : memref<2x96xi32, #tpu.memory_space<vmem>>, vector<16xi32>,
        tpu.vector_store_idx %arg11[%get3A_157], %broadcast_in_dim3A_1 {add = true} : memref<10224xf32, #tpu.memory_space<vmem>>[vector<16xi32>], vector<16xf32>,
        %scan3A_158 = arith.constant 0 : i32
        scf.yield %scan3A_158 : i32
      }
      %scan3A_125 = arith.constant 6 : i32
      %dma_wait3A_126 = arith.constant 1 : i32
      %dma_wait3A_127 = arith.constant 1 : i32
      %dma_wait3A_128 = arith.constant 1 : i32
      %dma_wait3A_129 = arith.constant 0 : i32
      %dma_wait3A_130 = arith.constant 0 : i32
      %dma_wait3A_131 = tpu.memref_slice %arg10[%dma_wait3A_127, %dma_wait3A_129, %dma_wait3A_130] : memref<2x96x128xf32, #tpu.memory_space<vmem>> -> memref<1x96x128xf32, #tpu.memory_space<vmem>>
      %dma_wait3A_132 = tpu.memref_squeeze %dma_wait3A_131 : memref<1x96x128xf32, #tpu.memory_space<vmem>> -> memref<96x128xf32, #tpu.memory_space<vmem>>
      %dma_wait3A_133 = arith.constant 0 : i32
      %dma_wait3A_134 = tpu.memref_slice %arg8[%dma_wait3A_126, %dma_wait3A_133] : memref<2x96xi32, #tpu.memory_space<vmem>> -> memref<1x96xi32, #tpu.memory_space<vmem>>
      %dma_wait3A_135 = tpu.memref_squeeze %dma_wait3A_134 : memref<1x96xi32, #tpu.memory_space<vmem>> -> memref<96xi32, #tpu.memory_space<vmem>>
      %dma_wait3A_136 = arith.constant 0 : i32
      %dma_wait3A_137 = arith.constant 0 : i32
      %dma_wait3A_138 = tpu.memref_slice %arg2[%dma_wait3A_136, %dma_wait3A_137] : memref<10000x128xf32, #tpu.memory_space<hbm>> -> memref<10000x128xf32, #tpu.memory_space<hbm>>
      %dma_wait3A_139 = tpu.memref_slice %arg13[%dma_wait3A_128] : memref<2x!tpu.dma_semaphore, #tpu.memory_space<semaphore_mem>> -> memref<1x!tpu.dma_semaphore, #tpu.memory_space<semaphore_mem>>
      %dma_wait3A_140 = tpu.memref_squeeze %dma_wait3A_139 : memref<1x!tpu.dma_semaphore, #tpu.memory_space<semaphore_mem>> -> memref<!tpu.dma_semaphore, #tpu.memory_space<semaphore_mem>>
      tpu.wait_indirect_dma semaphore(%dma_wait3A_140 : memref<!tpu.dma_semaphore, #tpu.memory_space<semaphore_mem>>) src(%dma_wait3A_138 : memref<10000x128xf32, #tpu.memory_space<hbm>>) dst(%dma_wait3A_132 : memref<96x128xf32, #tpu.memory_space<vmem>>)
      %run_scoped3A_141 = arith.constant 1 : i32
      %run_scoped3A_142 = arith.constant 1 : i32
      "tpu.region"() ({
        %run_scoped3A_151 = tpu.sem_alloc : memref<!tpu.dma_semaphore, #tpu.memory_space<semaphore_mem>>
        %dma_start3A_152 = arith.constant 0 : i32
        %dma_start3A_153 = arith.constant 0 : i32
        %dma_start3A_154 = tpu.memref_slice %arg10[%run_scoped3A_141, %dma_start3A_152, %dma_start3A_153] : memref<2x96x128xf32, #tpu.memory_space<vmem>> -> memref<1x96x128xf32, #tpu.memory_space<vmem>>
        %dma_start3A_155 = tpu.memref_squeeze %dma_start3A_154 : memref<1x96x128xf32, #tpu.memory_space<vmem>> -> memref<96x128xf32, #tpu.memory_space<vmem>>
        %dma_start3A_156 = arith.constant 0 : i32
        %dma_start3A_157 = tpu.memref_slice %arg9[%run_scoped3A_142, %dma_start3A_156] : memref<2x96xi32, #tpu.memory_space<vmem>> -> memref<1x96xi32, #tpu.memory_space<vmem>>
        %dma_start3A_158 = tpu.memref_squeeze %dma_start3A_157 : memref<1x96xi32, #tpu.memory_space<vmem>> -> memref<96xi32, #tpu.memory_space<vmem>>
        %dma_start3A_159 = arith.constant 0 : i32
        %dma_start3A_160 = arith.constant 0 : i32
        %dma_start3A_161 = tpu.memref_slice %arg12[%dma_start3A_159, %dma_start3A_160] : memref<10240x128xf32, #tpu.memory_space<vmem_shared>> -> memref<10240x128xf32, #tpu.memory_space<vmem_shared>>
        tpu.enqueue_indirect_dma source(%dma_start3A_155 : memref<96x128xf32, #tpu.memory_space<vmem>>) target(%dma_start3A_161 : memref<10240x128xf32, #tpu.memory_space<vmem_shared>>) offsets(%dma_start3A_158 : memref<96xi32, #tpu.memory_space<vmem>>) semaphore(%run_scoped3A_151 : memref<!tpu.dma_semaphore, #tpu.memory_space<semaphore_mem>>) {add = true}
        %dma_wait3A_162 = arith.constant 0 : i32
        %dma_wait3A_163 = arith.constant 0 : i32
        %dma_wait3A_164 = tpu.memref_slice %arg10[%run_scoped3A_141, %dma_wait3A_162, %dma_wait3A_163] : memref<2x96x128xf32, #tpu.memory_space<vmem>> -> memref<1x96x128xf32, #tpu.memory_space<vmem>>
        %dma_wait3A_165 = tpu.memref_squeeze %dma_wait3A_164 : memref<1x96x128xf32, #tpu.memory_space<vmem>> -> memref<96x128xf32, #tpu.memory_space<vmem>>
        %dma_wait3A_166 = arith.constant 0 : i32
        %dma_wait3A_167 = tpu.memref_slice %arg9[%run_scoped3A_142, %dma_wait3A_166] : memref<2x96xi32, #tpu.memory_space<vmem>> -> memref<1x96xi32, #tpu.memory_space<vmem>>
        %dma_wait3A_168 = tpu.memref_squeeze %dma_wait3A_167 : memref<1x96xi32, #tpu.memory_space<vmem>> -> memref<96xi32, #tpu.memory_space<vmem>>
        %dma_wait3A_169 = arith.constant 0 : i32
        %dma_wait3A_170 = arith.constant 0 : i32
        %dma_wait3A_171 = tpu.memref_slice %arg12[%dma_wait3A_169, %dma_wait3A_170] : memref<10240x128xf32, #tpu.memory_space<vmem_shared>> -> memref<10240x128xf32, #tpu.memory_space<vmem_shared>>
        tpu.wait_indirect_dma semaphore(%run_scoped3A_151 : memref<!tpu.dma_semaphore, #tpu.memory_space<semaphore_mem>>) src(%dma_wait3A_165 : memref<96x128xf32, #tpu.memory_space<vmem>>) dst(%dma_wait3A_171 : memref<10240x128xf32, #tpu.memory_space<vmem_shared>>)
        tpu.yield
      }) : () -> ()
      %add3A_143 = arith.constant 2 : i32
      %add3A_144 = arith.addi %add3A_118, %add3A_143 : i32
      %lt3A_145 = arith.constant 106 : i32
      %lt3A_146 = arith.cmpi slt, %add3A_144, %lt3A_145 : i32
      %convert_element_type3A_147 = arith.extui %lt3A_146 : i1 to i32
      %cond3A_148 = arith.constant 0 : i32
      %cond3A_149 = arith.cmpi ne, %convert_element_type3A_147, %cond3A_148 : i32
      scf.if %cond3A_149 {
        %scan3A_151 = arith.constant 0 : i32
        %scan3A_152 = arith.constant 0 : i32
        %scan3A_153 = arith.constant 6 : i32
        %scan3A_154 = arith.addi %scan3A_152, %scan3A_153 : i32
        %scan3A_155 = arith.constant 1 : i32
        %scan3A_156 = scf.for %scan3A_173 = %scan3A_152 to %scan3A_154 step %scan3A_155 iter_args(%scan3A_174 = %scan3A_151) -> (i32)  : i32 {
          %mul3A_175 = arith.constant 96 : i32
          %mul3A_176 = arith.muli %add3A_144, %mul3A_175 : i32
          %mul3A_177 = arith.constant 16 : i32
          %mul3A_178 = arith.muli %scan3A_173, %mul3A_177 : i32
          %add3A_179 = arith.addi %mul3A_176, %mul3A_178 : i32
          %get3A = arith.index_cast %add3A_179 : i32 to index
          %get3A_180 = tpu.vector_load %arg7[%get3A] {strides = array<i32>} : memref<10176xi32, #tpu.memory_space<vmem>>, vector<16xi32>,
          %and3A = arith.constant 65535 : i32
          %and3A_181 = vector.broadcast %and3A : i32 to vector<16xi32>
          %and3A_182 = arith.andi %get3A_180, %and3A_181 : vector<16xi32>
          %mul3A_183 = arith.constant 16 : i32
          %mul3A_184 = arith.muli %scan3A_173, %mul3A_183 : i32
          %swap3A = arith.constant 1 : i32
          %swap3A_185 = arith.index_cast %swap3A : i32 to index
          %swap3A_186 = arith.index_cast %mul3A_184 : i32 to index
          %swap3A_187 = tpu.vector_load %arg8[%swap3A_185, %swap3A_186] {strides = array<i32>} : memref<2x96xi32, #tpu.memory_space<vmem>>, vector<16xi32>,
          tpu.vector_store %arg8[%swap3A_185, %swap3A_186], %and3A_182 {strides = array<i32>} : memref<2x96xi32, #tpu.memory_space<vmem>>, vector<16xi32>,
          %shift_right_logical3A = arith.constant 16 : i32
          %shift_right_logical3A_188 = vector.broadcast %shift_right_logical3A : i32 to vector<16xi32>
          %shift_right_logical3A_189 = arith.shrui %get3A_180, %shift_right_logical3A_188 : vector<16xi32>
          %mul3A_190 = arith.constant 16 : i32
          %mul3A_191 = arith.muli %scan3A_173, %mul3A_190 : i32
          %swap3A_192 = arith.constant 1 : i32
          %swap3A_193 = arith.index_cast %swap3A_192 : i32 to index
          %swap3A_194 = arith.index_cast %mul3A_191 : i32 to index
          %swap3A_195 = tpu.vector_load %arg9[%swap3A_193, %swap3A_194] {strides = array<i32>} : memref<2x96xi32, #tpu.memory_space<vmem>>, vector<16xi32>,
          tpu.vector_store %arg9[%swap3A_193, %swap3A_194], %shift_right_logical3A_189 {strides = array<i32>} : memref<2x96xi32, #tpu.memory_space<vmem>>, vector<16xi32>,
          %scan3A_196 = arith.constant 0 : i32
          scf.yield %scan3A_196 : i32
        }
        %scan3A_157 = arith.constant 6 : i32
        %dma_start3A_158 = arith.constant 1 : i32
        %dma_start3A_159 = arith.constant 1 : i32
        %dma_start3A_160 = arith.constant 1 : i32
        %dma_start3A_161 = arith.constant 0 : i32
        %dma_start3A_162 = arith.constant 0 : i32
        %dma_start3A_163 = tpu.memref_slice %arg10[%dma_start3A_159, %dma_start3A_161, %dma_start3A_162] : memref<2x96x128xf32, #tpu.memory_space<vmem>> -> memref<1x96x128xf32, #tpu.memory_space<vmem>>
        %dma_start3A_164 = tpu.memref_squeeze %dma_start3A_163 : memref<1x96x128xf32, #tpu.memory_space<vmem>> -> memref<96x128xf32, #tpu.memory_space<vmem>>
        %dma_start3A_165 = arith.constant 0 : i32
        %dma_start3A_166 = tpu.memref_slice %arg8[%dma_start3A_158, %dma_start3A_165] : memref<2x96xi32, #tpu.memory_space<vmem>> -> memref<1x96xi32, #tpu.memory_space<vmem>>
        %dma_start3A_167 = tpu.memref_squeeze %dma_start3A_166 : memref<1x96xi32, #tpu.memory_space<vmem>> -> memref<96xi32, #tpu.memory_space<vmem>>
        %dma_start3A_168 = arith.constant 0 : i32
        %dma_start3A_169 = arith.constant 0 : i32
        %dma_start3A_170 = tpu.memref_slice %arg2[%dma_start3A_168, %dma_start3A_169] : memref<10000x128xf32, #tpu.memory_space<hbm>> -> memref<10000x128xf32, #tpu.memory_space<hbm>>
        %dma_start3A_171 = tpu.memref_slice %arg13[%dma_start3A_160] : memref<2x!tpu.dma_semaphore, #tpu.memory_space<semaphore_mem>> -> memref<1x!tpu.dma_semaphore, #tpu.memory_space<semaphore_mem>>
        %dma_start3A_172 = tpu.memref_squeeze %dma_start3A_171 : memref<1x!tpu.dma_semaphore, #tpu.memory_space<semaphore_mem>> -> memref<!tpu.dma_semaphore, #tpu.memory_space<semaphore_mem>>
        tpu.enqueue_indirect_dma source(%dma_start3A_170 : memref<10000x128xf32, #tpu.memory_space<hbm>>) target(%dma_start3A_164 : memref<96x128xf32, #tpu.memory_space<vmem>>) offsets(%dma_start3A_167 : memref<96xi32, #tpu.memory_space<vmem>>) semaphore(%dma_start3A_172 : memref<!tpu.dma_semaphore, #tpu.memory_space<semaphore_mem>>)
      } else {
      }
      %scan3A_150 = arith.constant 0 : i32
      scf.yield %scan3A_150 : i32
    }
    %scan3A_74 = arith.constant 53 : i32
    "tpu.region"() ({
      %run_scoped3A = tpu.sem_alloc : memref<!tpu.dma_semaphore, #tpu.memory_space<semaphore_mem>>
      %dma_start3A_83 = arith.constant 0 : i32
      %dma_start3A_84 = tpu.memref_slice %arg6[%add3A, %dma_start3A_83] : memref<32x10224xf32, #tpu.memory_space<hbm>> -> memref<1x10224xf32, #tpu.memory_space<hbm>>
      %dma_start3A_85 = tpu.memref_squeeze %dma_start3A_84 : memref<1x10224xf32, #tpu.memory_space<hbm>> -> memref<10224xf32, #tpu.memory_space<hbm>>
      %dma_start3A_86 = arith.constant 0 : i32
      %dma_start3A_87 = tpu.memref_slice %arg6[%add3A, %dma_start3A_86] : memref<32x10224xf32, #tpu.memory_space<hbm>> -> memref<1x10224xf32, #tpu.memory_space<hbm>>
      %dma_start3A_88 = tpu.memref_squeeze %dma_start3A_87 : memref<1x10224xf32, #tpu.memory_space<hbm>> -> memref<10224xf32, #tpu.memory_space<hbm>>
      tpu.enqueue_dma source(%arg11 : memref<10224xf32, #tpu.memory_space<vmem>>) target(%dma_start3A_88 : memref<10224xf32, #tpu.memory_space<hbm>>) target_semaphore(%run_scoped3A : memref<!tpu.dma_semaphore, #tpu.memory_space<semaphore_mem>>)
      %dma_wait3A = arith.constant 0 : i32
      %dma_wait3A_89 = tpu.memref_slice %arg6[%add3A, %dma_wait3A] : memref<32x10224xf32, #tpu.memory_space<hbm>> -> memref<1x10224xf32, #tpu.memory_space<hbm>>
      %dma_wait3A_90 = tpu.memref_squeeze %dma_wait3A_89 : memref<1x10224xf32, #tpu.memory_space<hbm>> -> memref<10224xf32, #tpu.memory_space<hbm>>
      %dma_wait3A_91 = arith.constant 0 : i32
      %dma_wait3A_92 = tpu.memref_slice %arg6[%add3A, %dma_wait3A_91] : memref<32x10224xf32, #tpu.memory_space<hbm>> -> memref<1x10224xf32, #tpu.memory_space<hbm>>
      %dma_wait3A_93 = tpu.memref_squeeze %dma_wait3A_92 : memref<1x10224xf32, #tpu.memory_space<hbm>> -> memref<10224xf32, #tpu.memory_space<hbm>>
      tpu.wait_dma2 semaphore(%run_scoped3A : memref<!tpu.dma_semaphore, #tpu.memory_space<semaphore_mem>>) src(%arg11 : memref<10224xf32, #tpu.memory_space<vmem>>) dst(%dma_wait3A_93 : memref<10224xf32, #tpu.memory_space<hbm>>)
      tpu.yield
    }) : () -> ()
    %barrier3A_75 = arith.constant 0 : index
    tpu.barrier barrier_id(%barrier3A_75)
    %eq3A = arith.constant 0 : i32
    %eq3A_76 = arith.cmpi eq, %arg0, %eq3A : i32
    %convert_element_type3A = arith.extui %eq3A_76 : i1 to i32
    %cond3A = arith.constant 0 : i32
    %cond3A_77 = arith.cmpi ne, %convert_element_type3A, %cond3A : i32
    scf.if %cond3A_77 {
      "tpu.region"() ({
        %run_scoped3A = tpu.sem_alloc : memref<!tpu.dma_semaphore, #tpu.memory_space<semaphore_mem>>
        %dma_start3A_83 = arith.constant 0 : i32
        %dma_start3A_84 = tpu.memref_slice %arg4[%mul3A_17, %dma_start3A_83] : memref<10240x128xf32, #tpu.memory_space<hbm>> -> memref<640x128xf32, #tpu.memory_space<hbm>>
        %dma_start3A_85 = arith.constant 0 : i32
        %dma_start3A_86 = tpu.memref_slice %arg12[%mul3A_17, %dma_start3A_85] : memref<10240x128xf32, #tpu.memory_space<vmem_shared>> -> memref<640x128xf32, #tpu.memory_space<vmem_shared>>
        tpu.enqueue_dma source(%dma_start3A_86 : memref<640x128xf32, #tpu.memory_space<vmem_shared>>) target(%dma_start3A_84 : memref<640x128xf32, #tpu.memory_space<hbm>>) target_semaphore(%run_scoped3A : memref<!tpu.dma_semaphore, #tpu.memory_space<semaphore_mem>>)
        %dma_wait3A = arith.constant 0 : i32
        %dma_wait3A_87 = tpu.memref_slice %arg4[%mul3A_17, %dma_wait3A] : memref<10240x128xf32, #tpu.memory_space<hbm>> -> memref<640x128xf32, #tpu.memory_space<hbm>>
        %dma_wait3A_88 = arith.constant 0 : i32
        %dma_wait3A_89 = tpu.memref_slice %arg12[%mul3A_17, %dma_wait3A_88] : memref<10240x128xf32, #tpu.memory_space<vmem_shared>> -> memref<640x128xf32, #tpu.memory_space<vmem_shared>>
        tpu.wait_dma2 semaphore(%run_scoped3A : memref<!tpu.dma_semaphore, #tpu.memory_space<semaphore_mem>>) src(%dma_wait3A_89 : memref<640x128xf32, #tpu.memory_space<vmem_shared>>) dst(%dma_wait3A_87 : memref<640x128xf32, #tpu.memory_space<hbm>>)
        tpu.yield
      }) : () -> ()
    } else {
    }
    %eq3A_78 = arith.constant 1 : i32
    %eq3A_79 = arith.cmpi eq, %arg0, %eq3A_78 : i32
    %convert_element_type3A_80 = arith.extui %eq3A_79 : i1 to i32
    %cond3A_81 = arith.constant 0 : i32
    %cond3A_82 = arith.cmpi ne, %convert_element_type3A_80, %cond3A_81 : i32
    scf.if %cond3A_82 {
      "tpu.region"() ({
        %run_scoped3A = tpu.sem_alloc : memref<!tpu.dma_semaphore, #tpu.memory_space<semaphore_mem>>
        %dma_start3A_83 = arith.constant 0 : i32
        %dma_start3A_84 = tpu.memref_slice %arg5[%mul3A_17, %dma_start3A_83] : memref<10240x128xf32, #tpu.memory_space<hbm>> -> memref<640x128xf32, #tpu.memory_space<hbm>>
        %dma_start3A_85 = arith.constant 0 : i32
        %dma_start3A_86 = tpu.memref_slice %arg12[%mul3A_17, %dma_start3A_85] : memref<10240x128xf32, #tpu.memory_space<vmem_shared>> -> memref<640x128xf32, #tpu.memory_space<vmem_shared>>
        tpu.enqueue_dma source(%dma_start3A_86 : memref<640x128xf32, #tpu.memory_space<vmem_shared>>) target(%dma_start3A_84 : memref<640x128xf32, #tpu.memory_space<hbm>>) target_semaphore(%run_scoped3A : memref<!tpu.dma_semaphore, #tpu.memory_space<semaphore_mem>>)
        %dma_wait3A = arith.constant 0 : i32
        %dma_wait3A_87 = tpu.memref_slice %arg5[%mul3A_17, %dma_wait3A] : memref<10240x128xf32, #tpu.memory_space<hbm>> -> memref<640x128xf32, #tpu.memory_space<hbm>>
        %dma_wait3A_88 = arith.constant 0 : i32
        %dma_wait3A_89 = tpu.memref_slice %arg12[%mul3A_17, %dma_wait3A_88] : memref<10240x128xf32, #tpu.memory_space<vmem_shared>> -> memref<640x128xf32, #tpu.memory_space<vmem_shared>>
        tpu.wait_dma2 semaphore(%run_scoped3A : memref<!tpu.dma_semaphore, #tpu.memory_space<semaphore_mem>>) src(%dma_wait3A_89 : memref<640x128xf32, #tpu.memory_space<vmem_shared>>) dst(%dma_wait3A_87 : memref<640x128xf32, #tpu.memory_space<hbm>>)
        tpu.yield
      }) : () -> ()
    } else {
    }
    return
  }
}

module attributes {stable_mosaic.version = 14 : i64} {
  func.func @body(%arg0: i32, %arg1: memref<1024x128xf32, #tpu.memory_space<vmem>>, %arg2: memref<128x128xf32, #tpu.memory_space<vmem>>, %arg3: memref<1x128xf32, #tpu.memory_space<vmem>>, %arg4: memref<1x128xf32, #tpu.memory_space<vmem>>, %arg5: memref<1024x128xf32, #tpu.memory_space<vmem>>) attributes {dimension_semantics = [#tpu.dimension_semantics<arbitrary>], iteration_bounds = array<i64: 10>, scalar_prefetch = 0 : i64, scratch_operands = 0 : i64, tpu.core_type = #tpu.core_type<tc>, window_params = [{transform_indices = @transform_0, window_bounds = array<i64: 1024, 128>}, {pipeline_mode = #tpu.pipeline_mode<synchronous>, transform_indices = @transform_1, window_bounds = array<i64: 128, 128>}, {pipeline_mode = #tpu.pipeline_mode<synchronous>, transform_indices = @transform_2, window_bounds = array<i64: 1, 128>}, {pipeline_mode = #tpu.pipeline_mode<synchronous>, transform_indices = @transform_3, window_bounds = array<i64: 1, 128>}, {transform_indices = @transform_4, window_bounds = array<i64: 1024, 128>}]} {
    %get3A = arith.constant 0 : index
    %get3A_0 = arith.constant 0 : index
    %get3A_1 = vector.load %arg1[%get3A, %get3A_0] : memref<1024x128xf32, #tpu.memory_space<vmem>>, vector<1024x128xf32>
    %get3A_2 = arith.constant 0 : index
    %get3A_3 = arith.constant 0 : index
    %get3A_4 = vector.load %arg2[%get3A_2, %get3A_3] : memref<128x128xf32, #tpu.memory_space<vmem>>, vector<128x128xf32>
    %dot_general3A = arith.constant dense<0.000000e+00> : vector<1024x128xf32>
    %dot_general3A_5 = tpu.matmul %get3A_1, %get3A_4, %dot_general3A {dimension_numbers = #tpu.dot_dimension_numbers<[1], [1], [0], [0], [0, 0, 1, 0], [], []>, transpose_lhs_hint = false} : vector<1024x128xf32>, vector<128x128xf32>, vector<1024x128xf32> -> vector<1024x128xf32>
    %get3A_6 = arith.constant 0 : index
    %get3A_7 = arith.constant 0 : index
    %get3A_8 = vector.load %arg3[%get3A_6, %get3A_7] : memref<1x128xf32, #tpu.memory_space<vmem>>, vector<1x128xf32>
    %add3A = vector.broadcast %get3A_8 : vector<1x128xf32> to vector<1024x128xf32>
    %add3A_9 = arith.addf %dot_general3A_5, %add3A : vector<1024x128xf32>
    %get3A_10 = arith.constant 0 : index
    %get3A_11 = arith.constant 0 : index
    %get3A_12 = vector.load %arg4[%get3A_10, %get3A_11] : memref<1x128xf32, #tpu.memory_space<vmem>>, vector<1x128xf32>
    %add3A_13 = vector.broadcast %get3A_12 : vector<1x128xf32> to vector<1024x128xf32>
    %add3A_14 = arith.addf %add3A_9, %add3A_13 : vector<1024x128xf32>
    %swap3A = arith.constant 0 : index
    %swap3A_15 = arith.constant 0 : index
    %swap3A_16 = vector.load %arg5[%swap3A, %swap3A_15] : memref<1024x128xf32, #tpu.memory_space<vmem>>, vector<1024x128xf32>
    tpu.vector_store %arg5[%swap3A, %swap3A_15], %add3A_14 {strides = array<i32>} : memref<1024x128xf32, #tpu.memory_space<vmem>>, vector<1024x128xf32>,
    return
  }
  func.func @transform_0(%arg0: i32) -> (i32, i32) {
    %c0_i32 = arith.constant 0 : i32
    %c0_i32_0 = arith.constant 0 : i32
    return %arg0, %c0_i32 : i32, i32
  }
  func.func @transform_1(%arg0: i32) -> (i32, i32) {
    %c0_i32 = arith.constant 0 : i32
    %c0_i32_0 = arith.constant 0 : i32
    %c0_i32_1 = arith.constant 0 : i32
    return %c0_i32, %c0_i32_0 : i32, i32
  }
  func.func @transform_2(%arg0: i32) -> (i32, i32) {
    %c0_i32 = arith.constant 0 : i32
    %c0_i32_0 = arith.constant 0 : i32
    %c0_i32_1 = arith.constant 0 : i32
    return %c0_i32, %c0_i32_0 : i32, i32
  }
  func.func @transform_3(%arg0: i32) -> (i32, i32) {
    %c0_i32 = arith.constant 0 : i32
    %c0_i32_0 = arith.constant 0 : i32
    %c0_i32_1 = arith.constant 0 : i32
    return %c0_i32, %c0_i32_0 : i32, i32
  }
  func.func @transform_4(%arg0: i32) -> (i32, i32) {
    %c0_i32 = arith.constant 0 : i32
    %c0_i32_0 = arith.constant 0 : i32
    return %arg0, %c0_i32 : i32, i32
  }
}

module attributes {stable_mosaic.version = 14 : i64} {
  func.func @body(%arg0: i32, %arg1: memref<1024x128xf32, #tpu.memory_space<vmem>>, %arg2: memref<1024x128xf32, #tpu.memory_space<vmem>>, %arg3: memref<1024x128xf32, #tpu.memory_space<vmem>>, %arg4: memref<32x1024xf32, #tpu.memory_space<vmem>>, %arg5: memref<128x128xf32, #tpu.memory_space<vmem>>, %arg6: memref<1024x128xf32, #tpu.memory_space<vmem>>) attributes {dimension_semantics = [#tpu.dimension_semantics<arbitrary>], iteration_bounds = array<i64: 10>, scalar_prefetch = 0 : i64, scratch_operands = 0 : i64, tpu.core_type = #tpu.core_type<tc>, window_params = [{transform_indices = @transform_0, window_bounds = array<i64: 1024, 128>}, {transform_indices = @transform_1, window_bounds = array<i64: 1024, 128>}, {transform_indices = @transform_2, window_bounds = array<i64: 1024, 128>}, {transform_indices = @transform_3, window_bounds = array<i64: 32, 1024>}, {pipeline_mode = #tpu.pipeline_mode<synchronous>, transform_indices = @transform_4, window_bounds = array<i64: 128, 128>}, {transform_indices = @transform_5, window_bounds = array<i64: 1024, 128>}]} {
    %get3A = arith.constant 0 : index
    %get3A_0 = arith.constant 0 : index
    %get3A_1 = vector.load %arg2[%get3A, %get3A_0] : memref<1024x128xf32, #tpu.memory_space<vmem>>, vector<1024x128xf32>
    %get3A_2 = arith.constant 0 : index
    %get3A_3 = arith.constant 0 : index
    %get3A_4 = vector.load %arg3[%get3A_2, %get3A_3] : memref<1024x128xf32, #tpu.memory_space<vmem>>, vector<1024x128xf32>
    %add3A = arith.addf %get3A_1, %get3A_4 : vector<1024x128xf32>
    %get3A_5 = arith.constant 0 : index
    %get3A_6 = arith.constant 0 : index
    %get3A_7 = vector.load %arg4[%get3A_5, %get3A_6] : memref<32x1024xf32, #tpu.memory_space<vmem>>, vector<32x1024xf32>
    %reduce_sum3A = arith.constant dense<0.000000e+00> : vector<1024xf32>
    %reduce_sum3A_8 = vector.multi_reduction <add>, %get3A_7, %reduce_sum3A [0] : vector<32x1024xf32> to vector<1024xf32>
    %broadcast_in_dim3A = vector.shape_cast %reduce_sum3A_8 : vector<1024xf32> to vector<1024x1xf32>
    %max3A = arith.constant 1.000000e+00 : f32
    %max3A_9 = vector.broadcast %max3A : f32 to vector<1024x1xf32>
    %max3A_10 = arith.maximumf %broadcast_in_dim3A, %max3A_9 : vector<1024x1xf32>
    %div3A = vector.broadcast %max3A_10 : vector<1024x1xf32> to vector<1024x128xf32>
    %div3A_11 = arith.divf %add3A, %div3A : vector<1024x128xf32>
    %get3A_12 = arith.constant 0 : index
    %get3A_13 = arith.constant 0 : index
    %get3A_14 = vector.load %arg1[%get3A_12, %get3A_13] : memref<1024x128xf32, #tpu.memory_space<vmem>>, vector<1024x128xf32>
    %get3A_15 = arith.constant 0 : index
    %get3A_16 = arith.constant 0 : index
    %get3A_17 = vector.load %arg5[%get3A_15, %get3A_16] : memref<128x128xf32, #tpu.memory_space<vmem>>, vector<128x128xf32>
    %dot_general3A = arith.constant dense<0.000000e+00> : vector<1024x128xf32>
    %dot_general3A_18 = tpu.matmul %div3A_11, %get3A_17, %dot_general3A {dimension_numbers = #tpu.dot_dimension_numbers<[1], [1], [0], [0], [0, 0, 1, 0], [], []>, transpose_lhs_hint = false} : vector<1024x128xf32>, vector<128x128xf32>, vector<1024x128xf32> -> vector<1024x128xf32>
    %add3A_19 = arith.addf %get3A_14, %dot_general3A_18 : vector<1024x128xf32>
    %swap3A = arith.constant 0 : index
    %swap3A_20 = arith.constant 0 : index
    %swap3A_21 = vector.load %arg6[%swap3A, %swap3A_20] : memref<1024x128xf32, #tpu.memory_space<vmem>>, vector<1024x128xf32>
    tpu.vector_store %arg6[%swap3A, %swap3A_20], %add3A_19 {strides = array<i32>} : memref<1024x128xf32, #tpu.memory_space<vmem>>, vector<1024x128xf32>,
    return
  }
  func.func @transform_0(%arg0: i32) -> (i32, i32) {
    %c0_i32 = arith.constant 0 : i32
    %c0_i32_0 = arith.constant 0 : i32
    return %arg0, %c0_i32 : i32, i32
  }
  func.func @transform_1(%arg0: i32) -> (i32, i32) {
    %c0_i32 = arith.constant 0 : i32
    %c0_i32_0 = arith.constant 0 : i32
    return %arg0, %c0_i32 : i32, i32
  }
  func.func @transform_2(%arg0: i32) -> (i32, i32) {
    %c0_i32 = arith.constant 0 : i32
    %c0_i32_0 = arith.constant 0 : i32
    return %arg0, %c0_i32 : i32, i32
  }
  func.func @transform_3(%arg0: i32) -> (i32, i32) {
    %c0_i32 = arith.constant 0 : i32
    %c0_i32_0 = arith.constant 0 : i32
    return %c0_i32, %arg0 : i32, i32
  }
  func.func @transform_4(%arg0: i32) -> (i32, i32) {
    %c0_i32 = arith.constant 0 : i32
    %c0_i32_0 = arith.constant 0 : i32
    %c0_i32_1 = arith.constant 0 : i32
    return %c0_i32, %c0_i32_0 : i32, i32
  }
  func.func @transform_5(%arg0: i32) -> (i32, i32) {
    %c0_i32 = arith.constant 0 : i32
    %c0_i32_0 = arith.constant 0 : i32
    return %arg0, %c0_i32 : i32, i32
  }
}

</mosaic_0001>

<sc_bundles>
// kernel: kernel.5.cloned.1.call-start
scs
__scs_entry_jumppad:
0x0: {  	(pc) =	sbr.rel $0x88, $3  }
0x1: {  	(tag) =	ssettag $0x0;
	lr =	simm.s32 $0x1  }
0x2: {  	[smem:$0x3F9B] =	sst lr;
	_ =	strace $0xD0000000  }
0x3: {  	_ = 	snop  }
0x4: {  	_ = 	snop  }
0x5: {  	_ = 	snop  }
0x6: {  	_ = 	snop  }
0x7: {  	_ = 	snop  }
__scs_overlays_trampoline_lowered:
0x8: {  	[smem:$0x3FAA] =	sst s0  }
0x9: {  	[smem:$0x3FAB] =	sst s1  }
0xa: {  	[smem:$0x3FAC] =	sst s2  }
0xb: {  	[smem:$0x3FAD] =	sst s3  }
0xc: {  	[smem:$0x3FAE] =	sst s4  }
0xd: {  	[smem:$0x3FAF] =	sst s5  }
0xe: {  	[smem:$0x3FB0] =	sst s6  }
0xf: {  	[smem:$0x3FB1] =	sst s7  }
0x10: {  	[smem:$0x3FB2] =	sst s8  }
0x11: {  	[smem:$0x3FB3] =	sst s9;
	s0 =	simm.s32 @!p0 $0x0  }
0x12: {  	s1 =	sld [smem:$0x3F99];
	s0 =	simm.s32 @p0 $0x1  }
0x13: {  	[smem:$0x3FB4] =	sst s0;
	s0 =	simm.s32 @!p1 $0x0  }
0x14: {  	s2 =	sld [smem:$0x3F98];
	s0 =	simm.s32 @p1 $0x1  }
0x15: {  	[smem:$0x3FB5] =	sst s0;
	s0 =	simm.s32 @!p2 $0x0  }
0x16: {  	s3 =	sld [smem:$0x3FDB];
	s0 =	simm.s32 @p2 $0x1  }
0x17: {  	s4 =	simm.s32 $0x1BF5;
	[smem:$0x3FB7] =	sst s0  }
0x18: {  	s0 =	sld [smem:$0x3F9A];
	_ =	swait.ge [sflag:s4], $0x0  }
0x19: {  	s7 =	sld [smem:$0x3F9B]  }
0x1a: {  	s8 =	sadd.s32 $0xFFFFE003, lr  }
0x1b: {  	s9 =	sadd.s32 $0xFFFFFEF7, lr;
	s5 =	simm.s32 $0xFFFFFFFF;
	p2 =	slt.u32 s8, $0xFFFFF086  }
0x1c: {  	p1 =	slt.u32 s9, $0xF7A;
	s5 =	simm.s32 @!p2 $0x0  }
0x1d: {  	s5 =	simm.s32 @p1 $0x1;
	p0 =	seq.s32 s7, s2  }
0x1e: {  	s7 =	smul.u32 @!p0 $0xF7A, s2;
	p2 =	seq.s32 @!p0 s5, $0x0  }
0x1f: {  	s9 =	smul.u32 $0xF7A, s1;
	s8 =	simm.s32 @!p0 $0x1BF5;
	p2 =	por !p2, p0  }
0x20: {  	[sflag:s8] =	ssyncset.s32 @!p0 $0xFFFFF086;
	s6 =	sadd.s32 @!p0 s3, s7;
	s7 =	simm.s32 @!p0 $0x108  }
0x21: {  	s3 =	sadd.s32 s3, s9;
	s6 =	sadd.s32 @!p0 $0x88, s6;
	s7 =	simm.s32 @p2 $0x1082  }
0x22: {  	[simem:s7], [sflag:s8] =	dma.local @!p0 [hbm:s6], $0xF7A  }
0x23: {  	s9 =	sor.u32 $0xD0000000, s2;
	s6 =	simm.s32 $0x108;
	_ =	swait.ge @!p0 [sflag:s8], $0x0  }
0x24: {  	s3 =	sadd.s32 $0x88, s3;
	s6 =	simm.s32 @!p1 $0x1082;
	[sflag:s4] =	ssyncset.s32 $0xFFFFF086  }
0x25: {  	[simem:s6], [sflag:s4] =	dma.local [hbm:s3], $0xF7A  }
0x26: {  	[smem:$0x3F9B] =	sst s1;
	(tag) =	ssettag s2;
	_ =	strace s9  }
0x27: {  	s1 =	sld [smem:$0x3FAB]  }
0x28: {  	s2 =	sld [smem:$0x3FAC]  }
0x29: {  	s4 =	sld [smem:$0x3FAE]  }
0x2a: {  	p0 =	seq.s32 s5, $0x0;
	s5 =	sld [smem:$0x3FAF]  }
0x2b: {  	s6 =	sld [smem:$0x3FB0]  }
0x2c: {  	s7 =	sld [smem:$0x3FB1]  }
0x2d: {  	s3 =	simm.s32 $0x108;
	s8 =	sld [smem:$0x3FB2]  }
0x2e: {  	s3 =	simm.s32 @!p0 $0x1082;
	s9 =	sld [smem:$0x3FB3]  }
0x2f: {  	lr =	sadd.s32 s0, s3;
	s0 =	sld [smem:$0x3FAA]  }
0x30: {  	s3 =	sld [smem:$0x3FAD]  }
0x31: {  	[smem:$0x3FB6] =	sst s10  }
0x32: {  	s10 =	sld [smem:$0x3FB4];
	_ =	sdelay $0x3  }
0x33: {  	p0 =	seq.s32 s10, $0x1;
	s10 =	sld [smem:$0x3FB6];
	_ =	sdelay $0x3  }
0x34: {  	[smem:$0x3FB6] =	sst s10  }
0x35: {  	s10 =	sld [smem:$0x3FB5];
	_ =	sdelay $0x3  }
0x36: {  	p1 =	seq.s32 s10, $0x1;
	s10 =	sld [smem:$0x3FB6];
	_ =	sdelay $0x3  }
0x37: {  	[smem:$0x3FB6] =	sst s10  }
0x38: {  	s10 =	sld [smem:$0x3FB7]  }
0x39: {  	_ = 	snop;
	(pc) =	sbr.ind lr, $3  }
0x3a: {  	_ = 	snop  }
0x3b: {  	_ = 	snop  }
0x3c: {  	p2 =	seq.s32 s10, $0x1;
	s10 =	sld [smem:$0x3FB6]  }
0x3d: {  	_ =	shalt  }
0x3e: {  	_ =	shalt  }
0x3f: {  	_ =	shalt  }
0x40: {  	_ =	shalt  }
0x41: {  	_ =	shalt  }
0x42: {  	_ =	shalt  }
0x43: {  	_ =	shalt  }
0x44: {  	_ =	shalt  }
0x45: {  	_ =	shalt  }
0x46: {  	_ =	shalt  }
0x47: {  	_ =	shalt  }
0x48: {  	_ =	shalt  }
0x49: {  	_ =	shalt  }
0x4a: {  	_ =	shalt  }
0x4b: {  	_ =	shalt  }
0x4c: {  	_ =	shalt  }
0x4d: {  	_ =	shalt  }
0x4e: {  	_ =	shalt  }
0x4f: {  	_ =	shalt  }
0x50: {  	_ =	shalt  }
0x51: {  	_ =	shalt  }
0x52: {  	_ =	shalt  }
0x53: {  	_ =	shalt  }
0x54: {  	_ =	shalt  }
0x55: {  	_ =	shalt  }
0x56: {  	_ =	shalt  }
0x57: {  	_ =	shalt  }
0x58: {  	_ =	shalt  }
0x59: {  	_ =	shalt  }
0x5a: {  	_ =	shalt  }
0x5b: {  	_ =	shalt  }
0x5c: {  	_ =	shalt  }
0x5d: {  	_ =	shalt  }
0x5e: {  	_ =	shalt  }
0x5f: {  	_ =	shalt  }
0x60: {  	_ =	shalt  }
0x61: {  	_ =	shalt  }
0x62: {  	_ =	shalt  }
0x63: {  	_ =	shalt  }
0x64: {  	_ =	shalt  }
0x65: {  	_ =	shalt  }
0x66: {  	_ =	shalt  }
0x67: {  	_ =	shalt  }
0x68: {  	_ =	shalt  }
0x69: {  	_ =	shalt  }
0x6a: {  	_ =	shalt  }
0x6b: {  	_ =	shalt  }
0x6c: {  	_ =	shalt  }
0x6d: {  	_ =	shalt  }
0x6e: {  	_ =	shalt  }
0x6f: {  	_ =	shalt  }
0x70: {  	_ =	shalt  }
0x71: {  	_ =	shalt  }
0x72: {  	_ =	shalt  }
0x73: {  	_ =	shalt  }
0x74: {  	_ =	shalt  }
0x75: {  	_ =	shalt  }
0x76: {  	_ =	shalt  }
0x77: {  	_ =	shalt  }
0x78: {  	_ =	shalt  }
0x79: {  	_ =	shalt  }
0x7a: {  	_ =	shalt  }
0x7b: {  	_ =	shalt  }
0x7c: {  	_ =	shalt  }
0x7d: {  	_ =	shalt  }
0x7e: {  	_ =	shalt  }
0x7f: {  	_ =	shalt  }
0x80: {  	_ =	shalt  }
0x81: {  	_ =	shalt  }
0x82: {  	_ =	shalt  }
0x83: {  	_ =	shalt  }
0x84: {  	_ =	shalt  }
0x85: {  	_ =	shalt  }
0x86: {  	_ =	shalt  }
0x87: {  	_ =	shalt  }
.Lfunc_end0:
.L_simem_size_0:
called_computation_lowered:
.L_overlay_start_0:
0x88: {  	s2 =	sld [smem:$0x3FD9]  }
0x89: {  	s3 =	sld [smem:$0x3FFE];
	_ =	sdelay $0x1  }
0x8a: {  	s1 =	srdreg.scid  }
0x8b: {  	s0 =	sand.u32 $0x1, s1  }
0x8c: {  	s17 =	sshll.u32 s0, $0xA;
	s2 =	sadd.s32 s3, s2  }
0x8d: {  	s2 =	sadd.s32 s2, s17  }
0x8e: {  	[smem:$0x3FC2] =	sst s2  }
0x8f: {  	_ = 	snop  }
0x90: {  	s2 =	sld [smem:$0x3FC9]  }
0x91: {  	s18 =	sld [smem:$0x3FD0];
	(tm) =	ssettm $0x1  }
0x92: {  	s4 =	sld [smem:$0x3FFB];
	_ =	sdelay $0x3  }
0x93: {  	_ =	strace s4  }
0x94: {  	s4 =	sld [smem:$0x3FFC];
	_ =	sdelay $0x3  }
0x95: {  	_ =	strace s4  }
0x96: {  	s4 =	sld [smem:$0x3FFD];
	_ =	sdelay $0x3  }
0x97: {  	_ =	strace s4  }
0x98: {  	_ =	strace $0x8FFFFFFF  }
0x99: {  	s19 =	sld [smem:$0x3FDB];
	_ =	sdelay $0x1  }
0x9a: {  	s5 =	simm.s32 $_scs_section_size  }
0x9b: {  	s6 =	simm.s32 $_size__tile_overlayer_lowered;
	s7 =	simm.s32 $_tile_overlayer_lowered  }
0x9c: {  	s22 =	simm.s32 $0x1BFF;
	s21 =	sshll.u32 s7, $0x1;
	s4 =	sadd.s32 s5, s19  }
0x9d: {  	s8 =	simm.s32 $0x0;
	s20 =	sshll.u32 s6, $0x1;
	s6 =	sadd.s32 s21, s4  }
0x9e: {  	[timem:s8], [sflag:s22] =	dma.local [hbm:s6], s20  }
0x9f: {  	_ =	swait.ge [sflag:s22], s20  }
0xa0: {  	s5 =	ssub.s32 $0x0, s20;
	[sflag:s22] =	ssyncset.done $0x0  }
0xa1: {  	[sflag:s22] =	ssyncadd.s32 s5;
	_ =	sdelay $0x1  }
0xa2: {  	s23 =	simm.s32 $0x1B8B  }
0xa3: {  	_ =	swait.ge [sflag:s23], $0x1  }
0xa4: {  	[sflag:s23] =	ssyncset.done $0x0  }
0xa5: {  	s25 =	simm.s32 $0x1B8E;
	s24 =	sld [smem:$0x3FFE];
	[sflag:s23] =	ssyncadd.s32 $0xFFFFFFFF  }
0xa6: {  	s26 =	simm.s32 $execute0_lowered;
	[smem:$0x3FD2] =	sst s25  }
0xa7: {  	s6 =	sshll.u32 s26, $0x1;
	_ =	strace $0x80000046;
	[dreg:$0x1] =	wrdreg $0xFFFFFFFF  }
0xa8: {  	s28 =	simm.s32 $_size_execute0_lowered;
	s4 =	sadd.s32 s4, s6;
	[dreg:$0x0] =	wrdreg $0x0  }
0xa9: {  	s6 =	sshll.u32 s28, $0x1;
	[dreg:$0x2] =	wrdreg s4  }
0xaa: {  	[dreg:$0x3] =	wrdreg s6  }
0xab: {  	[dreg:$0x4] =	wrdreg $0xC0  }
0xac: {  	_ =	task [dreg:s8], $0x5FFFF  }
0xad: {  	[dreg:$0x1] =	wrdreg $0xFFFFFFFF  }
0xae: {  	[dreg:$0x0] =	wrdreg $0x60  }
0xaf: {  	[dreg:$0x2] =	wrdreg s2  }
0xb0: {  	[dreg:$0x3] =	wrdreg s18  }
0xb1: {  	[dreg:$0x4] =	wrdreg s24  }
0xb2: {  	[dreg:$0x5] =	wrdreg $0xB2000  }
0xb3: {  	[dreg:$0x6] =	wrdreg $0x9  }
0xb4: {  	_ =	task.clear_ibuf [dreg:s8], $0x7FFFF;
	_ =	strace $0x90000046  }
0xb5: {  	s29 =	simm.s32 $0x9;
	_ =	strace $0x80000048  }
0xb6: {  	_ =	swait.ge [sflag:s29], $0x1  }
0xb7: {  	[sflag:s29] =	ssyncadd.s32 $0xFFFFFFFF  }
0xb8: {  	_ =	strace $0x90000048  }
0xb9: {  	_ =	sfence  }
0xba: {  	s30 =	sld [smem:$0x0];
	_ =	sdelay $0x2  }
0xbb: {  	s31 =	sshll.u32 s1, $0xD;
	s1 =	sshrl.u32 s1, $0x2  }
0xbc: {  	s3 =	sand.u32 $0x4000, s31;
	s1 =	sadd.s32 s1, s30  }
0xbd: {  	s0 =	sor.u32 s3, s0;
	s1 =	sshll.u32 s1, $0x11  }
0xbe: {  	s0 =	sor.u32 s1, s0  }
0xbf: {  	s0 =	sadd.s32 $0x8F2B, s0  }
0xc0: {  	[sflag:s0] =	ssyncadd.remote.s32 $0x1  }
0xc1: {  	_ =	sfence.sel $0xFFFF  }
0xc2: {  	[dreg:$0x0] =	wrdreg $0xFFFFFFFF;
	(pc) =	sbr.abs _section_cstart, $3  }
0xc3: {  	[dreg:$0x1] =	wrdreg $0xFFFFFFFF  }
0xc4: {  	_ =	task.clear_ibuf [dreg:s8], $0x2FFFF;
	_ =	strace $0x9FFFFFFF  }
0xc5: {  	(tm) =	ssettm $0x7FFFFFFF  }
tec
execute0_lowered:
.L_overlay_start_1:
0x0: {  	(tag) =	ssettag $0x1  }
0x1: {  	s1 =	rddreg [dreg:$0x0]  }
0x2: {  	s6 =	rddreg [dreg:$0x1]  }
0x3: {  	s0 =	srdreg.scid;
	s17 =	rddreg [dreg:$0x2]  }
0x4: {  	s10 =	stileid.u32;
	s3 =	rddreg [dreg:$0x3];
	s4 =	simm.s32 $0x0  }
0x5: {  	s19 =	simm.s32 $0x2A00;
	s20 =	simm.s32 $0x3;
	s21 =	simm.s32 $0x80  }
0x6: {  	s22 =	simm.s32 $0x400;
	s23 =	simm.s32 $0x60;
	s0 =	sand.u32 $0x1, s0  }
0x7: {  	s28 =	simm.s32 $0x8A00;
	s29 =	simm.s32 $0x1;
	s2 =	sshll.u32 s0, $0x4  }
0x8: {  	s30 =	simm.s32 $0x2900;
	s24 =	smul.u32 $0x50000, s10;
	s2 =	sor.u32 s10, s2  }
0x9: {  	s31 =	simm.s32 $0x2;
	s26 =	smul.u32 $0x2800, s10;
	s2 =	sshrl.u32 s2, $0x3  }
0xa: {  	s5 =	sshll.u32 s10, $0x7;
	[smem:$0x7FF] =	sst s4;
	s2 =	smul.u32 $0x14000, s2  }
0xb: {  	s5 =	sand.u32 $0x380, s5;
	_ =	strace $0x80000047;
	s7 =	ssub.s32 $0x2, s0  }
0xc: {  	p0 =	seq.s32 s0, $0x1;
	s9 =	sshrl.u32 s7, $0x1;
	s2 =	sor.u32 s5, s2  }
0xd: {  	s9 =	ssub.s32 s7, s9;
	s5 =	sshrl.u32 s24, $0x2;
	s2 =	sshrl.u32 s2, $0x3  }
0xe: {  	s5 =	sadd.s32 s5, s3;
	s8 =	sadd.s32 s2, s17;
	s2 =	sadd.s32 s6, s2  }
0xf: {  	s10 =	sadd.s32 $0x4000, s5;
	s11 =	sadd.s32 $0x6000, s5;
	s12 =	sadd.s32 $0x8000, s5  }
0x10: {  	s13 =	sadd.s32 $0xA000, s5;
	s14 =	sadd.s32 $0xC000, s5;
	s15 =	sadd.s32 $0xE000, s5  }
.Ltmp0:
0x11: {  	s16 =	sadd.s32 $0x10000, s5;
	[dreg:$0x5] =	wrdreg s2;
	(pc) =	sbr.rel .LBB2_1-.Ltmp0, $4  }
0x12: {  	s25 =	sadd.s32 $0x51800, s8;
	s8 =	smax.u32 s9, $0x1;
	s2 =	simm.s32 $0x29800  }
0x13: {  	s9 =	sadd.s32 $0x2000, s5;
	[dreg:$0x6] =	wrdreg s25;
	s2 =	simm.s32 @!p0 $0x1800  }
0x14: {  	s25 =	simm.s32 $0x2880;
	s2 =	sadd.s32 s2, s17;
	s17 =	sadd.s32 $0x12000, s5  }
0x15: {  	v0 =	vimm.f32 $0.0e+00;
	v1 =	vimm.f32 $1.000000000e+00;
	s18 =	sadd.s32 s2, s26;
	s26 =	simm.s32 $0x5A00;
	s2 =	simm.s32 $0x2980  }
.LBB2_8:
0x16: {  	s0 =	rddreg [dreg:$0x6]  }
0x17: {  	[hbm4b:s0+s21] =	stream.strided.scatter [tilespmem:s28], [sflag:$0x3], $0x2800, s22, s21, $0x38;
	[tilespmem:$0x1F200] =	vst v63  }
0x18: {  	s24 =	stileid.u32;
	_ =	swait.ge [sflag:s20], $0x2800  }
0x19: {  	s6 =	sshrl.u32 s5, $0x3;
	s4 =	sadd.s32 $0x1, s4;
	[sflag:s20] =	ssyncset.done $0x0  }
0x1a: {  	s0 =	sshll.u32 s24, $0x6;
	p0 =	sne.s32 s4, s8;
	[sflag:s20] =	ssyncadd.s32 $0xFFFFD800  }
.Ltmp1:
0x1b: {  	s0 =	sor.u32 $0x1C03, s0;
	[bflag:$0x0] =	sbarrier.arrive $0xFFFF;
	(pc) =	sbr.rel @!p0 .LBB2_9-.Ltmp1, $4  }
0x1c: {  	[hbm:s18], [sflag:s0] =	dma.local [spmem:s6], $0x2800  }
0x1d: {  	_ =	swait.ge [sflag:s20], $0x2800  }
0x1e: {  	[sflag:s20] =	ssyncset.done $0x0  }
0x1f: {  	[sflag:s20] =	ssyncadd.s32 $0xFFFFD800  }
.LBB2_1:
0x20: {  	s0 =	simm.s32 $0x0;
	s24 =	simm.s32 $0x200  }
.LBB2_2:
0x21: {  	p0 =	sne.s32 s24, $0x7E00;
	[tilespmem:s0+$0x2A70] =	vst v0  }
0x22: {  	[tilespmem:s0+$0x2A00] =	vst v0  }
0x23: {  	[tilespmem:s0+$0x2A10] =	vst v0  }
.Ltmp2:
0x24: {  	[tilespmem:s0+$0x2A20] =	vst v0;
	(pc) =	sbr.rel @p0 .LBB2_2-.Ltmp2, $4  }
0x25: {  	[tilespmem:s0+$0x2A30] =	vst v0  }
0x26: {  	[tilespmem:s0+$0x2A40] =	vst v0  }
0x27: {  	[tilespmem:s0+$0x2A50] =	vst v0  }
0x28: {  	[tilespmem:s0+$0x2A60] =	vst v0;
	s0 =	sshra.s32 s24, $0x2;
	s24 =	sadd.s32 $0x200, s24  }
0x29: {  	[tilespmem:s0+$0x2A70] =	vst v0  }
0x2a: {  	[tilespmem:s0+$0x2A00] =	vst v0  }
0x2b: {  	[tilespmem:s0+$0x2A10] =	vst v0  }
0x2c: {  	[tilespmem:s0+$0x2A20] =	vst v0  }
0x2d: {  	[tilespmem:s0+$0x2A30] =	vst v0  }
0x2e: {  	[tilespmem:s0+$0x2A40] =	vst v0  }
0x2f: {  	[tilespmem:s0+$0x2A50] =	vst v0  }
0x30: {  	[tilespmem:s0+$0x2A60] =	vst v0;
	s0 =	simm.s32 $0x40;
	s24 =	simm.s32 $0x0  }
.LBB2_4:
0x31: {  	p0 =	sne.s32 s0, $0x9F80;
	[tilespmem:s24+$0x8A00] =	vst v0;
	s24 =	smov.u32 s0;
	s0 =	sadd.s32 $0x40, s0  }
.Ltmp3:
0x32: {  	(pc) =	sbr.rel @p0 .LBB2_4-.Ltmp3, $2  }
0x33: {  	_ =	sdelay $0x2  }
0x34: {  	s24 =	sshra.s32 s24, $0x2  }
0x35: {  	[tilespmem:s24+$0x8A00] =	vst v0  }
0x36: {  	[spmem:s5] =	stream.linear.scatter [tilespmem:s19], [sflag:$0x3], $0x2000, $0x38;
	[tilespmem:$0x1F200] =	vst v63  }
0x37: {  	_ =	swait.ge [sflag:s20], $0x2000  }
0x38: {  	[sflag:s20] =	ssyncset.done $0x0  }
0x39: {  	[sflag:s20] =	ssyncadd.s32 $0xFFFFE000  }
0x3a: {  	[spmem:s9] =	stream.linear.scatter [tilespmem:s19], [sflag:$0x3], $0x2000, $0x38;
	[tilespmem:$0x1F200] =	vst v63  }
0x3b: {  	_ =	swait.ge [sflag:s20], $0x2000  }
0x3c: {  	[sflag:s20] =	ssyncset.done $0x0  }
0x3d: {  	[sflag:s20] =	ssyncadd.s32 $0xFFFFE000  }
0x3e: {  	[spmem:s10] =	stream.linear.scatter [tilespmem:s19], [sflag:$0x3], $0x2000, $0x38;
	[tilespmem:$0x1F200] =	vst v63  }
0x3f: {  	_ =	swait.ge [sflag:s20], $0x2000  }
0x40: {  	[sflag:s20] =	ssyncset.done $0x0  }
0x41: {  	[sflag:s20] =	ssyncadd.s32 $0xFFFFE000  }
0x42: {  	[spmem:s11] =	stream.linear.scatter [tilespmem:s19], [sflag:$0x3], $0x2000, $0x38;
	[tilespmem:$0x1F200] =	vst v63  }
0x43: {  	_ =	swait.ge [sflag:s20], $0x2000  }
0x44: {  	[sflag:s20] =	ssyncset.done $0x0  }
0x45: {  	[sflag:s20] =	ssyncadd.s32 $0xFFFFE000  }
0x46: {  	[spmem:s12] =	stream.linear.scatter [tilespmem:s19], [sflag:$0x3], $0x2000, $0x38;
	[tilespmem:$0x1F200] =	vst v63  }
0x47: {  	_ =	swait.ge [sflag:s20], $0x2000  }
0x48: {  	[sflag:s20] =	ssyncset.done $0x0  }
0x49: {  	[sflag:s20] =	ssyncadd.s32 $0xFFFFE000  }
0x4a: {  	[spmem:s13] =	stream.linear.scatter [tilespmem:s19], [sflag:$0x3], $0x2000, $0x38;
	[tilespmem:$0x1F200] =	vst v63  }
0x4b: {  	_ =	swait.ge [sflag:s20], $0x2000  }
0x4c: {  	[sflag:s20] =	ssyncset.done $0x0  }
0x4d: {  	[sflag:s20] =	ssyncadd.s32 $0xFFFFE000  }
0x4e: {  	[spmem:s14] =	stream.linear.scatter [tilespmem:s19], [sflag:$0x3], $0x2000, $0x38;
	[tilespmem:$0x1F200] =	vst v63  }
0x4f: {  	_ =	swait.ge [sflag:s20], $0x2000  }
0x50: {  	[sflag:s20] =	ssyncset.done $0x0  }
0x51: {  	[sflag:s20] =	ssyncadd.s32 $0xFFFFE000  }
0x52: {  	[spmem:s15] =	stream.linear.scatter [tilespmem:s19], [sflag:$0x3], $0x2000, $0x38;
	[tilespmem:$0x1F200] =	vst v63  }
0x53: {  	_ =	swait.ge [sflag:s20], $0x2000  }
0x54: {  	[sflag:s20] =	ssyncset.done $0x0  }
0x55: {  	[sflag:s20] =	ssyncadd.s32 $0xFFFFE000  }
0x56: {  	[spmem:s16] =	stream.linear.scatter [tilespmem:s19], [sflag:$0x3], $0x2000, $0x38;
	[tilespmem:$0x1F200] =	vst v63  }
0x57: {  	_ =	swait.ge [sflag:s20], $0x2000  }
0x58: {  	[sflag:s20] =	ssyncset.done $0x0  }
0x59: {  	[sflag:s20] =	ssyncadd.s32 $0xFFFFE000  }
0x5a: {  	[spmem:s17] =	stream.linear.scatter [tilespmem:s19], [sflag:$0x3], $0x2000, $0x38;
	[tilespmem:$0x1F200] =	vst v63  }
0x5b: {  	_ =	swait.ge [sflag:s20], $0x2000  }
0x5c: {  	[sflag:s20] =	ssyncset.done $0x0  }
0x5d: {  	s0 =	simm.s32 $0x0;
	s6 =	rddreg [dreg:$0x5];
	[sflag:s20] =	ssyncadd.s32 $0xFFFFE000  }
0x5e: {  	[tilespmem:s0], [sflag:$0x3] =	stream.strided.gather [hbm4b:s6+s21], $0x2800, s22, s21, $0x38;
	[tilespmem:$0x1F200] =	vst v63  }
0x5f: {  	_ =	swait.ge [sflag:s20], $0x2800  }
0x60: {  	[sflag:s20] =	ssyncset.done $0x0  }
0x61: {  	[sflag:s20] =	ssyncadd.s32 $0xFFFFD800  }
0x62: {  	v2 =	vld [tilespmem:$0x0];
	_ =	sdelay $0x1  }
0x63: {  	v3 =	vld [tilespmem:$0x10];
	_ =	sdelay $0x1  }
0x64: {  	v4 =	vld [tilespmem:$0x20]  }
0x65: {  	v5 =	vand.u32 $0xFFFF, v2  }
0x66: {  	v58 =	vld [tilespmem:$0x30];
	v2 =	vshrl.u32 v2, $0x10;
	[tilespmem:$0x2800] =	vst v5  }
0x67: {  	[tilespmem:$0x2900] =	vst v2;
	v2 =	vand.u32 $0xFFFF, v3  }
0x68: {  	[tilespmem:$0x2810] =	vst v2;
	v2 =	vshrl.u32 v3, $0x10;
	v3 =	vld [tilespmem:$0x40]  }
0x69: {  	[tilespmem:$0x2910] =	vst v2;
	v2 =	vand.u32 $0xFFFF, v4  }
0x6a: {  	v59 =	vld [tilespmem:$0x50];
	[tilespmem:$0x2820] =	vst v2;
	v2 =	vshrl.u32 v4, $0x10  }
0x6b: {  	[tilespmem:$0x2920] =	vst v2;
	v2 =	vand.u32 $0xFFFF, v58  }
0x6c: {  	[tilespmem:$0x2830] =	vst v2;
	v2 =	vshrl.u32 v58, $0x10  }
0x6d: {  	[tilespmem:$0x2930] =	vst v2;
	v2 =	vand.u32 $0xFFFF, v3  }
0x6e: {  	[tilespmem:$0x2840] =	vst v2;
	v2 =	vshrl.u32 v3, $0x10  }
0x6f: {  	[tilespmem:$0x2940] =	vst v2;
	v2 =	vand.u32 $0xFFFF, v59  }
0x70: {  	[tilespmem:$0x2850] =	vst v2;
	v2 =	vshrl.u32 v59, $0x10  }
0x71: {  	s24 =	simm.s32 $0x2800;
	[tilespmem:$0x2950] =	vst v2  }
0x72: {  	[tilespmem:s19], [sflag:$0x1] =	stream.indirect.gather [hbm4b:s1+s23], $0x80, s24, s23, $0xb8;
	[tilespmem:$0x1F200] =	vst v63  }
0x73: {  	v2 =	vld [tilespmem:$0x60];
	_ =	sdelay $0x1  }
0x74: {  	v3 =	vld [tilespmem:$0x70];
	_ =	sdelay $0x1  }
0x75: {  	v60 =	vld [tilespmem:$0x80]  }
0x76: {  	v61 =	vand.u32 $0xFFFF, v2  }
0x77: {  	v62 =	vld [tilespmem:$0x90];
	v2 =	vshrl.u32 v2, $0x10;
	[tilespmem:$0x2880] =	vst v61  }
0x78: {  	[tilespmem:$0x2980] =	vst v2;
	v2 =	vand.u32 $0xFFFF, v3  }
0x79: {  	[tilespmem:$0x2890] =	vst v2;
	v2 =	vshrl.u32 v3, $0x10;
	v3 =	vld [tilespmem:$0xA0]  }
0x7a: {  	[tilespmem:$0x2990] =	vst v2;
	v2 =	vand.u32 $0xFFFF, v60  }
0x7b: {  	v63 =	vld [tilespmem:$0xB0];
	[tilespmem:$0x28A0] =	vst v2;
	v2 =	vshrl.u32 v60, $0x10  }
0x7c: {  	[tilespmem:$0x29A0] =	vst v2;
	v2 =	vand.u32 $0xFFFF, v62  }
0x7d: {  	[tilespmem:$0x28B0] =	vst v2;
	v2 =	vshrl.u32 v62, $0x10  }
0x7e: {  	[tilespmem:$0x29B0] =	vst v2;
	v2 =	vand.u32 $0xFFFF, v3  }
0x7f: {  	[tilespmem:$0x28C0] =	vst v2;
	v2 =	vshrl.u32 v3, $0x10  }
0x80: {  	[tilespmem:$0x29C0] =	vst v2;
	v2 =	vand.u32 $0xFFFF, v63  }
0x81: {  	[tilespmem:$0x28D0] =	vst v2;
	v2 =	vshrl.u32 v63, $0x10  }
0x82: {  	[tilespmem:$0x29D0] =	vst v2  }
0x83: {  	[tilespmem:s26], [sflag:$0x2] =	stream.indirect.gather [hbm4b:s1+s23], $0x80, s25, s23, $0xb8;
	[tilespmem:$0x1F200] =	vst v63  }
0x84: {  	[bflag:$0x0] =	sbarrier.arrive $0xFFFF  }
.LBB2_6:
0x85: {  	v2 =	vld [tilespmem:$0x2900];
	_ =	sdelay $0x7  }
0x86: {  	[tilespmem:v2+s28+$0x0] =	vst.idx.add.f32.msk $0xffff, v1  }
0x87: {  	v2 =	vld [tilespmem:$0x2910];
	_ =	sdelay $0x7  }
0x88: {  	[tilespmem:v2+s28+$0x0] =	vst.idx.add.f32.msk $0xffff, v1  }
0x89: {  	v2 =	vld [tilespmem:$0x2920];
	_ =	sdelay $0x7  }
0x8a: {  	[tilespmem:v2+s28+$0x0] =	vst.idx.add.f32.msk $0xffff, v1  }
0x8b: {  	v2 =	vld [tilespmem:$0x2930];
	_ =	sdelay $0x7  }
0x8c: {  	[tilespmem:v2+s28+$0x0] =	vst.idx.add.f32.msk $0xffff, v1  }
0x8d: {  	v2 =	vld [tilespmem:$0x2940];
	_ =	sdelay $0x7  }
0x8e: {  	[tilespmem:v2+s28+$0x0] =	vst.idx.add.f32.msk $0xffff, v1  }
0x8f: {  	v2 =	vld [tilespmem:$0x2950];
	_ =	sdelay $0x7  }
0x90: {  	[tilespmem:v2+s28+$0x0] =	vst.idx.add.f32.msk $0xffff, v1  }
0x91: {  	_ =	swait.ge [sflag:s29], $0x3000  }
0x92: {  	[sflag:s29] =	ssyncset.done $0x0  }
0x93: {  	[sflag:s29] =	ssyncadd.s32 $0xFFFFD000  }
0x94: {  	[spmem:s3] =	stream.indirect.scatter.add.f32 [tilespmem:s19], [sflag:$0x3], $0x80, s30, s23, $0xb8;
	[tilespmem:$0x1F200] =	vst v63  }
0x95: {  	_ =	swait.ge [sflag:s20], $0x3000  }
0x96: {  	p0 =	seq.s32 s0, $0x9C00;
	[sflag:s20] =	ssyncset.done $0x0  }
0x97: {  	s24 =	sshra.s32 @!p0 s0, $0x2;
	[sflag:s20] =	ssyncadd.s32 $0xFFFFD000  }
0x98: {  	v2 =	vld @!p0 [tilespmem:s24+$0xC0];
	_ =	sdelay $0x4  }
0x99: {  	v3 =	vand.u32 @!p0 $0xFFFF, v2  }
0x9a: {  	v2 =	vshrl.u32 @!p0 v2, $0x10;
	[tilespmem:$0x2800] =	vst @!p0 v3  }
0x9b: {  	[tilespmem:$0x2900] =	vst @!p0 v2  }
0x9c: {  	v2 =	vld @!p0 [tilespmem:s24+$0xD0];
	_ =	sdelay $0x4  }
0x9d: {  	v3 =	vand.u32 @!p0 $0xFFFF, v2  }
0x9e: {  	v2 =	vshrl.u32 @!p0 v2, $0x10;
	[tilespmem:$0x2810] =	vst @!p0 v3  }
0x9f: {  	[tilespmem:$0x2910] =	vst @!p0 v2  }
0xa0: {  	v2 =	vld @!p0 [tilespmem:s24+$0xE0];
	_ =	sdelay $0x4  }
0xa1: {  	v3 =	vand.u32 @!p0 $0xFFFF, v2  }
0xa2: {  	v2 =	vshrl.u32 @!p0 v2, $0x10;
	[tilespmem:$0x2820] =	vst @!p0 v3  }
0xa3: {  	[tilespmem:$0x2920] =	vst @!p0 v2  }
0xa4: {  	v2 =	vld @!p0 [tilespmem:s24+$0xF0];
	_ =	sdelay $0x4  }
0xa5: {  	v3 =	vand.u32 @!p0 $0xFFFF, v2  }
0xa6: {  	v2 =	vshrl.u32 @!p0 v2, $0x10;
	[tilespmem:$0x2830] =	vst @!p0 v3  }
0xa7: {  	[tilespmem:$0x2930] =	vst @!p0 v2  }
0xa8: {  	v2 =	vld @!p0 [tilespmem:s24+$0x100];
	_ =	sdelay $0x4  }
0xa9: {  	v3 =	vand.u32 @!p0 $0xFFFF, v2  }
0xaa: {  	v2 =	vshrl.u32 @!p0 v2, $0x10;
	[tilespmem:$0x2840] =	vst @!p0 v3  }
0xab: {  	[tilespmem:$0x2940] =	vst @!p0 v2  }
0xac: {  	v2 =	vld @!p0 [tilespmem:s24+$0x110];
	_ =	sdelay $0x4  }
0xad: {  	v3 =	vand.u32 @!p0 $0xFFFF, v2  }
0xae: {  	v2 =	vshrl.u32 @!p0 v2, $0x10;
	[tilespmem:$0x2850] =	vst @!p0 v3  }
0xaf: {  	s6 =	simm.s32 @!p0 $0x2800;
	s7 =	simm.s32 @!p0 $0x2A00;
	s24 =	simm.s32 @!p0 $0x60;
	[tilespmem:$0x2950] =	vst @!p0 v2  }
0xb0: {  	[tilespmem:s7], [sflag:$0x1] =	stream.indirect.gather @!p0 [hbm4b:s1+s24], $0x80, s6, s24, $0xb8;
	[tilespmem:$0x1F200] =	vst v63  }
0xb1: {  	v2 =	vld [tilespmem:$0x2980];
	_ =	sdelay $0x7  }
0xb2: {  	[tilespmem:v2+s28+$0x0] =	vst.idx.add.f32.msk $0xffff, v1  }
0xb3: {  	v2 =	vld [tilespmem:$0x2990];
	_ =	sdelay $0x7  }
0xb4: {  	[tilespmem:v2+s28+$0x0] =	vst.idx.add.f32.msk $0xffff, v1  }
0xb5: {  	v2 =	vld [tilespmem:$0x29A0];
	_ =	sdelay $0x7  }
0xb6: {  	[tilespmem:v2+s28+$0x0] =	vst.idx.add.f32.msk $0xffff, v1  }
0xb7: {  	v2 =	vld [tilespmem:$0x29B0];
	_ =	sdelay $0x7  }
0xb8: {  	[tilespmem:v2+s28+$0x0] =	vst.idx.add.f32.msk $0xffff, v1  }
0xb9: {  	v2 =	vld [tilespmem:$0x29C0];
	_ =	sdelay $0x7  }
0xba: {  	[tilespmem:v2+s28+$0x0] =	vst.idx.add.f32.msk $0xffff, v1  }
0xbb: {  	v2 =	vld [tilespmem:$0x29D0];
	_ =	sdelay $0x7  }
0xbc: {  	[tilespmem:v2+s28+$0x0] =	vst.idx.add.f32.msk $0xffff, v1  }
0xbd: {  	_ =	swait.ge [sflag:s31], $0x3000  }
0xbe: {  	[sflag:s31] =	ssyncset.done $0x0  }
.Ltmp4:
0xbf: {  	[sflag:s31] =	ssyncadd.s32 $0xFFFFD000;
	(pc) =	sbr.rel @p0 .LBB2_8-.Ltmp4, $4  }
0xc0: {  	[spmem:s3] =	stream.indirect.scatter.add.f32 [tilespmem:s26], [sflag:$0x3], $0x80, s2, s23, $0xb8;
	[tilespmem:$0x1F200] =	vst v63  }
0xc1: {  	_ =	swait.ge [sflag:s20], $0x3000  }
0xc2: {  	[sflag:s20] =	ssyncset.done $0x0  }
0xc3: {  	[sflag:s20] =	ssyncadd.s32 $0xFFFFD000  }
0xc4: {  	s6 =	sshra.s32 s0, $0x2  }
0xc5: {  	v2 =	vld [tilespmem:s6+$0x120];
	_ =	sdelay $0x4  }
0xc6: {  	v3 =	vand.u32 $0xFFFF, v2  }
0xc7: {  	v2 =	vshrl.u32 v2, $0x10;
	[tilespmem:$0x2880] =	vst v3  }
0xc8: {  	[tilespmem:$0x2980] =	vst v2  }
0xc9: {  	v2 =	vld [tilespmem:s6+$0x130];
	_ =	sdelay $0x4  }
0xca: {  	v3 =	vand.u32 $0xFFFF, v2  }
0xcb: {  	v2 =	vshrl.u32 v2, $0x10;
	[tilespmem:$0x2890] =	vst v3  }
0xcc: {  	[tilespmem:$0x2990] =	vst v2  }
0xcd: {  	v2 =	vld [tilespmem:s6+$0x140];
	_ =	sdelay $0x4  }
0xce: {  	v3 =	vand.u32 $0xFFFF, v2  }
0xcf: {  	v2 =	vshrl.u32 v2, $0x10;
	[tilespmem:$0x28A0] =	vst v3  }
0xd0: {  	[tilespmem:$0x29A0] =	vst v2  }
0xd1: {  	v2 =	vld [tilespmem:s6+$0x150];
	_ =	sdelay $0x4  }
0xd2: {  	v3 =	vand.u32 $0xFFFF, v2  }
0xd3: {  	v2 =	vshrl.u32 v2, $0x10;
	[tilespmem:$0x28B0] =	vst v3  }
0xd4: {  	[tilespmem:$0x29B0] =	vst v2  }
0xd5: {  	v2 =	vld [tilespmem:s6+$0x160];
	_ =	sdelay $0x4  }
0xd6: {  	v3 =	vand.u32 $0xFFFF, v2  }
0xd7: {  	v2 =	vshrl.u32 v2, $0x10;
	[tilespmem:$0x28C0] =	vst v3  }
0xd8: {  	[tilespmem:$0x29C0] =	vst v2  }
0xd9: {  	v2 =	vld [tilespmem:s6+$0x170];
	_ =	sdelay $0x3  }
.Ltmp5:
0xda: {  	_ = 	snop;
	(pc) =	sbr.rel .LBB2_6-.Ltmp5, $4  }
0xdb: {  	v3 =	vand.u32 $0xFFFF, v2  }
0xdc: {  	v2 =	vshrl.u32 v2, $0x10;
	[tilespmem:$0x28D0] =	vst v3  }
0xdd: {  	s0 =	sadd.s32 $0x300, s0;
	[tilespmem:$0x29D0] =	vst v2  }
0xde: {  	[tilespmem:s26], [sflag:$0x2] =	stream.indirect.gather [hbm4b:s1+s23], $0x80, s25, s23, $0xb8;
	[tilespmem:$0x1F200] =	vst v63  }
.LBB2_9:
0xdf: {  	_ =	sfence.sel $0x180000  }
0xe0: {  	[bflag:$0x0] =	sbarrier.arrive $0xFFFF  }
0xe1: {  	_ =	strace $0x90000047  }
0xe2: {  	s0 =	stileid.u32;
	[bflag:$0x2] =	sbarrier.arrive $0xFFFF  }
0xe3: {  	p0 =	sne.s32 s0, $0x0;
	s0 =	rddreg [dreg:$0x4]  }
0xe4: {  	s0 =	sadd.s32 @!p0 $0x100000, s0  }
0xe5: {  	[sflag:s0] =	ssyncadd.tile.s32 @!p0 $0x1;
	_ =	shalt  }
.Lfunc_end2:
_tile_overlayer_lowered:
.L_overlay_start_2:
0xe6: {  	(tag) =	ssettag $0x2  }
0xe7: {  	s0 =	rddreg [dreg:$0x0];
	s2 =	stileid.u32  }
0xe8: {  	s1 =	rddreg [dreg:$0x1];
	p0 =	sne.s32 s2, $0x0  }
0xe9: {  	s3 =	rddreg [dreg:$0x2];
	[bflag:$0x3] =	sbarrier.arrive $0xFFFF;
	s2 =	simm.s32 @!p0 $0x1C03  }
0xea: {  	[timem:s3], [sflag:s2] =	dma.local @!p0 [hbm:s0], s1  }
0xeb: {  	s0 =	simm.s32 @!p0 $0x3  }
0xec: {  	_ =	swait.ge @!p0 [sflag:s0], s1  }
0xed: {  	s1 =	ssub.s32 @!p0 $0x0, s1;
	[sflag:s0] =	ssyncset.done @!p0 $0x0  }
0xee: {  	[sflag:s0] =	ssyncadd.s32 @!p0 s1  }
0xef: {  	[bflag:$0x3] =	sbarrier.arrive $0xFFFF  }
0xf0: {  	_ =	shalt  }

</sc_bundles>
